<compile_context>
chip_gen: v7x
topology: tpu7x:2x2x1
jax: 0.10.2.dev20260603
libtpu: 0.0.44.dev20260713+nightly
codegen_flags: <defaults>
</compile_context>

<pallas_src>
import dataclasses
import functools

import jax
import jax.numpy as jnp
from jax import lax
from jax.experimental import pallas as pl
from jax.experimental.pallas import tpu as pltpu
from jax.experimental.pallas import tpu_sc as plsc

N = 10000
E = 320000
D = 128
EPS = 1e-5

NC = 2
NS = 16
NW = NC * NS
EPW = E // NW

NHR = 640
NHF = NHR * 16

CH = 80
NCHUNK = EPW // CH
NPAD = 10240
RPT = NPAD // NS
NZR = 160

RB = 2000


def _sc_compiler_params():
    cp = pltpu.CompilerParams()
    if "needs_layout_passes" in pltpu.CompilerParams.__dataclass_fields__:
        cp = dataclasses.replace(cp, needs_layout_passes=False)
    return cp


def _sc_hist(dst_rows):
    mesh = plsc.VectorSubcoreMesh(core_axis_name="c", subcore_axis_name="s")

    @functools.partial(
        pl.kernel,
        out_type=jax.ShapeDtypeStruct((NW, NHR, 16), jnp.float32),
        mesh=mesh,
        compiler_params=_sc_compiler_params(),
        scratch_types=[
            pltpu.VMEM((EPW,), jnp.int32),
            pltpu.VMEM((NHR, 16), jnp.float32),
            pltpu.SemaphoreType.DMA,
        ],
    )
    def hist_kernel(dst_hbm, out_hbm, idx_v, hist_v, sem):
        cid = lax.axis_index("c")
        sid = lax.axis_index("s")
        wid = sid * NC + cid
        pltpu.async_copy(dst_hbm.at[wid], idx_v, sem).wait()

        zeros16 = jnp.zeros((16,), jnp.float32)

        @pl.loop(0, NHR)
        def _(i):
            hist_v[i] = zeros16

        ones16 = jnp.ones((16,), jnp.float32)

        @pl.loop(0, EPW // 16)
        def _(i):
            iv = idx_v[pl.ds(i * 16, 16)]
            row = lax.shift_right_logical(iv, 4)
            lane = lax.bitwise_and(iv, 15)
            plsc.addupdate_scatter(hist_v, [row, lane], ones16)

        pltpu.sync_copy(hist_v, out_hbm.at[wid])

    return hist_kernel(dst_rows)


def _tc_dinv(degp2):

    def body(p_ref, o_ref):
        s = jnp.sum(p_ref[...], axis=0, keepdims=True) + 1.0
        o_ref[...] = lax.rsqrt(s)

    return pl.pallas_call(
        body,
        grid=(NHF // 1280,),
        in_specs=[pl.BlockSpec((NW, 1280), lambda i: (0, i))],
        out_specs=pl.BlockSpec((1, 1280), lambda i: (0, i)),
        out_shape=jax.ShapeDtypeStruct((1, NHF), jnp.float32),
    )(degp2)


def _tc_matmul_scale(x, W, dinv_col):

    def body(x_ref, w_ref, d_ref, o_ref):
        h = jnp.dot(x_ref[...], w_ref[...], preferred_element_type=jnp.float32)
        o_ref[...] = h * d_ref[...]

    return pl.pallas_call(
        body,
        grid=(N // RB,),
        in_specs=[
            pl.BlockSpec((RB, D), lambda i: (i, 0)),
            pl.BlockSpec((D, D), lambda i: (0, 0)),
            pl.BlockSpec((RB, 1), lambda i: (i, 0)),
        ],
        out_specs=pl.BlockSpec((RB, D), lambda i: (i, 0)),
        out_shape=jax.ShapeDtypeStruct((N, D), jnp.float32),
    )(x, W, dinv_col)


def _sc_agg(hp, src_r, dst_r, zrows):
    mesh = plsc.VectorSubcoreMesh(core_axis_name="c", subcore_axis_name="s")

    @functools.partial(
        pl.kernel,
        out_type=jax.ShapeDtypeStruct((NC, NPAD, D), jnp.float32),
        mesh=mesh,
        compiler_params=_sc_compiler_params(),
        scratch_types=[
            pltpu.VMEM_SHARED((NPAD, D), jnp.float32),
            pltpu.VMEM((NCHUNK, CH), jnp.int32),
            pltpu.VMEM((NCHUNK, CH), jnp.int32),
            pltpu.VMEM((CH, D), jnp.float32),
            pltpu.SemaphoreType.DMA,
        ],
    )
    def agg_kernel(hp_hbm, src_hbm, dst_hbm, z_hbm, out_hbm,
                   S_sh, sidx_v, didx_v, rows_v, sem):
        cid = lax.axis_index("c")
        sid = lax.axis_index("s")
        wid = sid * NC + cid

        pltpu.async_copy(src_hbm.at[wid], sidx_v, sem).wait()
        pltpu.async_copy(dst_hbm.at[wid], didx_v, sem).wait()

        @pl.loop(0, RPT // NZR)
        def _(i):
            pltpu.sync_copy(z_hbm, S_sh.at[pl.ds(sid * RPT + i * NZR, NZR)])

        plsc.subcore_barrier()

        @pl.loop(0, NCHUNK)
        def _(j):
            pltpu.async_copy(hp_hbm.at[sidx_v.at[j]], rows_v, sem).wait()
            pltpu.sync_copy(rows_v, S_sh.at[didx_v.at[j]], add=True)

        plsc.subcore_barrier()

        @pl.loop(0, RPT // NZR)
        def _(i):
            pltpu.sync_copy(
                S_sh.at[pl.ds(sid * RPT + i * NZR, NZR)],
                out_hbm.at[cid, pl.ds(sid * RPT + i * NZR, NZR)],
            )

    return agg_kernel(hp, src_r, dst_r, zrows)


def _tc_epilogue(Sp, hp, dinv_col, b2, g2, be2):

    def body(S_ref, hp_ref, d_ref, b_ref, g_ref, be_ref, o_ref, acc_ref):
        p = pl.program_id(0)
        i = pl.program_id(1)
        t = (S_ref[0] + S_ref[1] + hp_ref[...]) * d_ref[...] + b_ref[...]
        t = jnp.maximum(t, 0.0)

        @pl.when(jnp.logical_and(p == 0, i == 0))
        def _():
            acc_ref[...] = jnp.zeros_like(acc_ref)

        @pl.when(p == 0)
        def _():
            acc_ref[0:1, :] += jnp.sum(t, axis=0, keepdims=True)
            acc_ref[1:2, :] += jnp.sum(t * t, axis=0, keepdims=True)

        @pl.when(p == 1)
        def _():
            mean = acc_ref[0:1, :] * (1.0 / N)
            var = acc_ref[1:2, :] * (1.0 / N) - mean * mean
            o_ref[...] = ((t - mean) * lax.rsqrt(var + EPS) * g_ref[...]
                          + be_ref[...])

    return pl.pallas_call(
        body,
        grid=(2, N // RB),
        in_specs=[
            pl.BlockSpec((NC, RB, D), lambda p, i: (0, i, 0)),
            pl.BlockSpec((RB, D), lambda p, i: (i, 0)),
            pl.BlockSpec((RB, 1), lambda p, i: (i, 0)),
            pl.BlockSpec((1, D), lambda p, i: (0, 0)),
            pl.BlockSpec((1, D), lambda p, i: (0, 0)),
            pl.BlockSpec((1, D), lambda p, i: (0, 0)),
        ],
        out_specs=pl.BlockSpec((RB, D), lambda p, i: (i, 0)),
        out_shape=jax.ShapeDtypeStruct((N, D), jnp.float32),
        scratch_shapes=[pltpu.VMEM((2, D), jnp.float32)],
    )(Sp, hp, dinv_col, b2, g2, be2)


def kernel(x, edge_index, W, b, gamma, beta):
    src = edge_index[0]
    dst = edge_index[1]

    degp = _sc_hist(dst.reshape(NW, EPW))
    dinv_row = _tc_dinv(degp.reshape(NW, NHF))
    dinv_col = dinv_row.reshape(NHF, 1)[:N]

    hp = _tc_matmul_scale(x, W, dinv_col)

    Sp = _sc_agg(
        hp,
        src.reshape(NW, NCHUNK, CH),
        dst.reshape(NW, NCHUNK, CH),
        jnp.zeros((NZR, D), jnp.float32),
    )

    return _tc_epilogue(
        Sp, hp, dinv_col,
        b.reshape(1, D), gamma.reshape(1, D), beta.reshape(1, D),
    )

# --- scband reference (transcript-rebuilt; emitter-appended) ---
"""Pipeline reference for scband-gnnblock-22643067585025 (READ-ONLY COPY).

The authoritative reference and input builder live on the scoring server;
editing this copy changes nothing except your own understanding.
"""

import jax, jax.numpy as jnp
import numpy as np

N = 10000
E = 320000
D_IN = 128
D_OUT = 128
EPS = 1e-5


def setup_inputs(seed: int = 0) -> dict:
    key = jax.random.key(seed)
    k1, k2, k3, k4, k5, k6 = jax.random.split(key, 6)
    x = jax.random.normal(k1, (N, D_IN), dtype=jnp.float32)
    edge_index = jax.random.randint(k2, (2, E), 0, N, dtype=jnp.int32)
    W = jax.random.normal(k3, (D_IN, D_OUT), dtype=jnp.float32) * (1.0 / np.sqrt(D_IN))
    b = jnp.zeros((D_OUT,), dtype=jnp.float32)
    gamma = jnp.ones((D_OUT,), dtype=jnp.float32)
    beta = jnp.zeros((D_OUT,), dtype=jnp.float32)
    return {"x": x, "edge_index": edge_index, "W": W, "b": b, "gamma": gamma, "beta": beta}


def reference(x, edge_index, W, b, gamma, beta):
    n = x.shape[0]
    src = edge_index[0]
    dst = edge_index[1]
    # GCNConv: add self-loops
    loop = jnp.arange(n, dtype=src.dtype)
    src = jnp.concatenate([src, loop], axis=0)
    dst = jnp.concatenate([dst, loop], axis=0)
    # linear transform (lin has no bias in PyG GCNConv; bias added after aggregation)
    h = x @ W
    # symmetric normalization: deg computed on destination (col)
    ones_w = jnp.ones(src.shape[0], dtype=x.dtype)
    deg = jax.ops.segment_sum(ones_w, dst, num_segments=n)
    deg_inv_sqrt = jnp.where(deg > 0, 1.0 / jnp.sqrt(deg), 0.0)
    norm = deg_inv_sqrt[src] * deg_inv_sqrt[dst]
    # gather messages from source nodes, scale, scatter-add to destination
    msgs = h[src] * norm[:, None]
    agg = jax.ops.segment_sum(msgs, dst, num_segments=n)
    z = agg + b
    # activation
    z = jax.nn.relu(z)
    # BatchNorm (training mode: batch statistics, biased variance)
    mean = jnp.mean(z, axis=0)
    var = jnp.var(z, axis=0)
    z = (z - mean) / jnp.sqrt(var + EPS) * gamma + beta
    # dropout with p=0.0 is identity
    return z.astype(x.dtype)

if __name__ == "__main__":
    import jax
    _d = setup_inputs()
    print(jax.jit(kernel)(*tuple(_d.values())))

</pallas_src>

<mosaic_0001>
#map = affine_map<(d0, d1) -> (0, 0)>
#map1 = affine_map<(d0, d1) -> (0, 0, 0)>
module attributes {stable_mosaic.version = 14 : i64} {
  func.func @hist_kernel(%arg0: i32, %arg1: i32, %arg2: memref<32x10000xi32, #tpu.memory_space<hbm>>, %arg3: memref<32x640x16xf32, #tpu.memory_space<hbm>>, %arg4: memref<10000xi32, #tpu.memory_space<vmem>>, %arg5: memref<640x16xf32, #tpu.memory_space<vmem>>, %arg6: memref<!tpu.dma_semaphore, #tpu.memory_space<semaphore_mem>>) attributes {dimension_semantics = [#tpu.dimension_semantics<core_parallel>, #tpu.dimension_semantics<subcore_parallel>], iteration_bounds = array<i64: 2, 16>, scalar_prefetch = 0 : i64, scratch_operands = 3 : i64, tpu.core_type = #tpu.core_type<sc_vector_subcore>, window_params = [{transform_indices = #map}, {transform_indices = #map1}]} {
    %mul3A = arith.constant 2 : i32
    %mul3A_0 = arith.muli %arg1, %mul3A : i32
    %add3A = arith.addi %mul3A_0, %arg0 : i32
    %dma_start3A = arith.constant 0 : i32
    %dma_start3A_1 = tpu.memref_slice %arg2[%add3A, %dma_start3A] : memref<32x10000xi32, #tpu.memory_space<hbm>> -> memref<1x10000xi32, #tpu.memory_space<hbm>>
    %dma_start3A_2 = tpu.memref_squeeze %dma_start3A_1 : memref<1x10000xi32, #tpu.memory_space<hbm>> -> memref<10000xi32, #tpu.memory_space<hbm>>
    %dma_start3A_3 = arith.constant 0 : i32
    %dma_start3A_4 = tpu.memref_slice %arg2[%add3A, %dma_start3A_3] : memref<32x10000xi32, #tpu.memory_space<hbm>> -> memref<1x10000xi32, #tpu.memory_space<hbm>>
    %dma_start3A_5 = tpu.memref_squeeze %dma_start3A_4 : memref<1x10000xi32, #tpu.memory_space<hbm>> -> memref<10000xi32, #tpu.memory_space<hbm>>
    tpu.enqueue_dma source(%dma_start3A_5 : memref<10000xi32, #tpu.memory_space<hbm>>) target(%arg4 : memref<10000xi32, #tpu.memory_space<vmem>>) target_semaphore(%arg6 : memref<!tpu.dma_semaphore, #tpu.memory_space<semaphore_mem>>)
    %dma_wait3A = arith.constant 0 : i32
    %dma_wait3A_6 = tpu.memref_slice %arg2[%add3A, %dma_wait3A] : memref<32x10000xi32, #tpu.memory_space<hbm>> -> memref<1x10000xi32, #tpu.memory_space<hbm>>
    %dma_wait3A_7 = tpu.memref_squeeze %dma_wait3A_6 : memref<1x10000xi32, #tpu.memory_space<hbm>> -> memref<10000xi32, #tpu.memory_space<hbm>>
    %dma_wait3A_8 = arith.constant 0 : i32
    %dma_wait3A_9 = tpu.memref_slice %arg2[%add3A, %dma_wait3A_8] : memref<32x10000xi32, #tpu.memory_space<hbm>> -> memref<1x10000xi32, #tpu.memory_space<hbm>>
    %dma_wait3A_10 = tpu.memref_squeeze %dma_wait3A_9 : memref<1x10000xi32, #tpu.memory_space<hbm>> -> memref<10000xi32, #tpu.memory_space<hbm>>
    tpu.wait_dma2 semaphore(%arg6 : memref<!tpu.dma_semaphore, #tpu.memory_space<semaphore_mem>>) src(%dma_wait3A_10 : memref<10000xi32, #tpu.memory_space<hbm>>) dst(%arg4 : memref<10000xi32, #tpu.memory_space<vmem>>)
    %broadcast_in_dim3A = arith.constant 0.000000e+00 : f32
    %broadcast_in_dim3A_11 = vector.broadcast %broadcast_in_dim3A : f32 to vector<16xf32>
    %scan3A = arith.constant 0 : i32
    %scan3A_12 = arith.constant 640 : i32
    %scan3A_13 = arith.addi %scan3A, %scan3A_12 : i32
    %scan3A_14 = arith.constant 1 : i32
    scf.for %scan3A_23 = %scan3A to %scan3A_13 step %scan3A_14  : i32 {
      %mul3A_24 = arith.constant 1 : i32
      %mul3A_25 = arith.muli %scan3A_23, %mul3A_24 : i32
      %add3A_26 = arith.constant 0 : i32
      %add3A_27 = arith.addi %add3A_26, %mul3A_25 : i32
      %swap3A = arith.index_cast %add3A_27 : i32 to index
      %swap3A_28 = arith.constant 0 : index
      %swap3A_29 = tpu.vector_load %arg5[%swap3A, %swap3A_28] {strides = array<i32>} : memref<640x16xf32, #tpu.memory_space<vmem>>, vector<16xf32>,
      tpu.vector_store %arg5[%swap3A, %swap3A_28], %broadcast_in_dim3A_11 {strides = array<i32>} : memref<640x16xf32, #tpu.memory_space<vmem>>, vector<16xf32>,
    }
    %scan3A_15 = arith.constant 640 : i32
    %broadcast_in_dim3A_16 = arith.constant 1.000000e+00 : f32
    %broadcast_in_dim3A_17 = vector.broadcast %broadcast_in_dim3A_16 : f32 to vector<16xf32>
    %scan3A_18 = arith.constant 0 : i32
    %scan3A_19 = arith.constant 625 : i32
    %scan3A_20 = arith.addi %scan3A_18, %scan3A_19 : i32
    %scan3A_21 = arith.constant 1 : i32
    scf.for %scan3A_23 = %scan3A_18 to %scan3A_20 step %scan3A_21  : i32 {
      %mul3A_24 = arith.constant 1 : i32
      %mul3A_25 = arith.muli %scan3A_23, %mul3A_24 : i32
      %add3A_26 = arith.constant 0 : i32
      %add3A_27 = arith.addi %add3A_26, %mul3A_25 : i32
      %mul3A_28 = arith.constant 16 : i32
      %mul3A_29 = arith.muli %add3A_27, %mul3A_28 : i32
      %get3A = arith.index_cast %mul3A_29 : i32 to index
      %get3A_30 = tpu.vector_load %arg4[%get3A] {strides = array<i32>} : memref<10000xi32, #tpu.memory_space<vmem>>, vector<16xi32>,
      %shift_right_logical3A = arith.constant 4 : i32
      %shift_right_logical3A_31 = vector.broadcast %shift_right_logical3A : i32 to vector<16xi32>
      %shift_right_logical3A_32 = arith.shrui %get3A_30, %shift_right_logical3A_31 : vector<16xi32>
      %and3A = arith.constant 15 : i32
      %and3A_33 = vector.broadcast %and3A : i32 to vector<16xi32>
      %and3A_34 = arith.andi %get3A_30, %and3A_33 : vector<16xi32>
      tpu.vector_store_idx %arg5[%shift_right_logical3A_32, %and3A_34], %broadcast_in_dim3A_17 {add = true} : memref<640x16xf32, #tpu.memory_space<vmem>>[vector<16xi32>, vector<16xi32>], vector<16xf32>,
    }
    %scan3A_22 = arith.constant 625 : i32
    "tpu.region"() ({
      %run_scoped3A = tpu.sem_alloc : memref<!tpu.dma_semaphore, #tpu.memory_space<semaphore_mem>>
      %dma_start3A_23 = arith.constant 0 : i32
      %dma_start3A_24 = arith.constant 0 : i32
      %dma_start3A_25 = tpu.memref_slice %arg3[%add3A, %dma_start3A_23, %dma_start3A_24] : memref<32x640x16xf32, #tpu.memory_space<hbm>> -> memref<1x640x16xf32, #tpu.memory_space<hbm>>
      %dma_start3A_26 = tpu.memref_squeeze %dma_start3A_25 : memref<1x640x16xf32, #tpu.memory_space<hbm>> -> memref<640x16xf32, #tpu.memory_space<hbm>>
      %dma_start3A_27 = arith.constant 0 : i32
      %dma_start3A_28 = arith.constant 0 : i32
      %dma_start3A_29 = tpu.memref_slice %arg3[%add3A, %dma_start3A_27, %dma_start3A_28] : memref<32x640x16xf32, #tpu.memory_space<hbm>> -> memref<1x640x16xf32, #tpu.memory_space<hbm>>
      %dma_start3A_30 = tpu.memref_squeeze %dma_start3A_29 : memref<1x640x16xf32, #tpu.memory_space<hbm>> -> memref<640x16xf32, #tpu.memory_space<hbm>>
      tpu.enqueue_dma source(%arg5 : memref<640x16xf32, #tpu.memory_space<vmem>>) target(%dma_start3A_30 : memref<640x16xf32, #tpu.memory_space<hbm>>) target_semaphore(%run_scoped3A : memref<!tpu.dma_semaphore, #tpu.memory_space<semaphore_mem>>)
      %dma_wait3A_31 = arith.constant 0 : i32
      %dma_wait3A_32 = arith.constant 0 : i32
      %dma_wait3A_33 = tpu.memref_slice %arg3[%add3A, %dma_wait3A_31, %dma_wait3A_32] : memref<32x640x16xf32, #tpu.memory_space<hbm>> -> memref<1x640x16xf32, #tpu.memory_space<hbm>>
      %dma_wait3A_34 = tpu.memref_squeeze %dma_wait3A_33 : memref<1x640x16xf32, #tpu.memory_space<hbm>> -> memref<640x16xf32, #tpu.memory_space<hbm>>
      %dma_wait3A_35 = arith.constant 0 : i32
      %dma_wait3A_36 = arith.constant 0 : i32
      %dma_wait3A_37 = tpu.memref_slice %arg3[%add3A, %dma_wait3A_35, %dma_wait3A_36] : memref<32x640x16xf32, #tpu.memory_space<hbm>> -> memref<1x640x16xf32, #tpu.memory_space<hbm>>
      %dma_wait3A_38 = tpu.memref_squeeze %dma_wait3A_37 : memref<1x640x16xf32, #tpu.memory_space<hbm>> -> memref<640x16xf32, #tpu.memory_space<hbm>>
      tpu.wait_dma2 semaphore(%run_scoped3A : memref<!tpu.dma_semaphore, #tpu.memory_space<semaphore_mem>>) src(%arg5 : memref<640x16xf32, #tpu.memory_space<vmem>>) dst(%dma_wait3A_38 : memref<640x16xf32, #tpu.memory_space<hbm>>)
      tpu.yield
    }) : () -> ()
    return
  }
}

#map = affine_map<(d0, d1) -> (0, 0)>
#map1 = affine_map<(d0, d1) -> (0, 0, 0)>
module attributes {stable_mosaic.version = 14 : i64} {
  func.func @agg_kernel(%arg0: i32, %arg1: i32, %arg2: memref<10000x128xf32, #tpu.memory_space<hbm>>, %arg3: memref<32x125x80xi32, #tpu.memory_space<hbm>>, %arg4: memref<32x125x80xi32, #tpu.memory_space<hbm>>, %arg5: memref<160x128xf32, #tpu.memory_space<hbm>>, %arg6: memref<2x10240x128xf32, #tpu.memory_space<hbm>>, %arg7: memref<10240x128xf32, #tpu.memory_space<vmem_shared>>, %arg8: memref<125x80xi32, #tpu.memory_space<vmem>>, %arg9: memref<125x80xi32, #tpu.memory_space<vmem>>, %arg10: memref<80x128xf32, #tpu.memory_space<vmem>>, %arg11: memref<!tpu.dma_semaphore, #tpu.memory_space<semaphore_mem>>) attributes {dimension_semantics = [#tpu.dimension_semantics<core_parallel>, #tpu.dimension_semantics<subcore_parallel>], iteration_bounds = array<i64: 2, 16>, scalar_prefetch = 0 : i64, scratch_operands = 5 : i64, tpu.core_type = #tpu.core_type<sc_vector_subcore>, window_params = [{transform_indices = #map}, {transform_indices = #map1}, {transform_indices = #map1}, {transform_indices = #map}, {transform_indices = #map1}]} {
    %mul3A = arith.constant 2 : i32
    %mul3A_0 = arith.muli %arg1, %mul3A : i32
    %add3A = arith.addi %mul3A_0, %arg0 : i32
    %dma_start3A = arith.constant 0 : i32
    %dma_start3A_1 = arith.constant 0 : i32
    %dma_start3A_2 = tpu.memref_slice %arg3[%add3A, %dma_start3A, %dma_start3A_1] : memref<32x125x80xi32, #tpu.memory_space<hbm>> -> memref<1x125x80xi32, #tpu.memory_space<hbm>>
    %dma_start3A_3 = tpu.memref_squeeze %dma_start3A_2 : memref<1x125x80xi32, #tpu.memory_space<hbm>> -> memref<125x80xi32, #tpu.memory_space<hbm>>
    %dma_start3A_4 = arith.constant 0 : i32
    %dma_start3A_5 = arith.constant 0 : i32
    %dma_start3A_6 = tpu.memref_slice %arg3[%add3A, %dma_start3A_4, %dma_start3A_5] : memref<32x125x80xi32, #tpu.memory_space<hbm>> -> memref<1x125x80xi32, #tpu.memory_space<hbm>>
    %dma_start3A_7 = tpu.memref_squeeze %dma_start3A_6 : memref<1x125x80xi32, #tpu.memory_space<hbm>> -> memref<125x80xi32, #tpu.memory_space<hbm>>
    tpu.enqueue_dma source(%dma_start3A_7 : memref<125x80xi32, #tpu.memory_space<hbm>>) target(%arg8 : memref<125x80xi32, #tpu.memory_space<vmem>>) target_semaphore(%arg11 : memref<!tpu.dma_semaphore, #tpu.memory_space<semaphore_mem>>)
    %dma_wait3A = arith.constant 0 : i32
    %dma_wait3A_8 = arith.constant 0 : i32
    %dma_wait3A_9 = tpu.memref_slice %arg3[%add3A, %dma_wait3A, %dma_wait3A_8] : memref<32x125x80xi32, #tpu.memory_space<hbm>> -> memref<1x125x80xi32, #tpu.memory_space<hbm>>
    %dma_wait3A_10 = tpu.memref_squeeze %dma_wait3A_9 : memref<1x125x80xi32, #tpu.memory_space<hbm>> -> memref<125x80xi32, #tpu.memory_space<hbm>>
    %dma_wait3A_11 = arith.constant 0 : i32
    %dma_wait3A_12 = arith.constant 0 : i32
    %dma_wait3A_13 = tpu.memref_slice %arg3[%add3A, %dma_wait3A_11, %dma_wait3A_12] : memref<32x125x80xi32, #tpu.memory_space<hbm>> -> memref<1x125x80xi32, #tpu.memory_space<hbm>>
    %dma_wait3A_14 = tpu.memref_squeeze %dma_wait3A_13 : memref<1x125x80xi32, #tpu.memory_space<hbm>> -> memref<125x80xi32, #tpu.memory_space<hbm>>
    tpu.wait_dma2 semaphore(%arg11 : memref<!tpu.dma_semaphore, #tpu.memory_space<semaphore_mem>>) src(%dma_wait3A_14 : memref<125x80xi32, #tpu.memory_space<hbm>>) dst(%arg8 : memref<125x80xi32, #tpu.memory_space<vmem>>)
    %dma_start3A_15 = arith.constant 0 : i32
    %dma_start3A_16 = arith.constant 0 : i32
    %dma_start3A_17 = tpu.memref_slice %arg4[%add3A, %dma_start3A_15, %dma_start3A_16] : memref<32x125x80xi32, #tpu.memory_space<hbm>> -> memref<1x125x80xi32, #tpu.memory_space<hbm>>
    %dma_start3A_18 = tpu.memref_squeeze %dma_start3A_17 : memref<1x125x80xi32, #tpu.memory_space<hbm>> -> memref<125x80xi32, #tpu.memory_space<hbm>>
    %dma_start3A_19 = arith.constant 0 : i32
    %dma_start3A_20 = arith.constant 0 : i32
    %dma_start3A_21 = tpu.memref_slice %arg4[%add3A, %dma_start3A_19, %dma_start3A_20] : memref<32x125x80xi32, #tpu.memory_space<hbm>> -> memref<1x125x80xi32, #tpu.memory_space<hbm>>
    %dma_start3A_22 = tpu.memref_squeeze %dma_start3A_21 : memref<1x125x80xi32, #tpu.memory_space<hbm>> -> memref<125x80xi32, #tpu.memory_space<hbm>>
    tpu.enqueue_dma source(%dma_start3A_22 : memref<125x80xi32, #tpu.memory_space<hbm>>) target(%arg9 : memref<125x80xi32, #tpu.memory_space<vmem>>) target_semaphore(%arg11 : memref<!tpu.dma_semaphore, #tpu.memory_space<semaphore_mem>>)
    %dma_wait3A_23 = arith.constant 0 : i32
    %dma_wait3A_24 = arith.constant 0 : i32
    %dma_wait3A_25 = tpu.memref_slice %arg4[%add3A, %dma_wait3A_23, %dma_wait3A_24] : memref<32x125x80xi32, #tpu.memory_space<hbm>> -> memref<1x125x80xi32, #tpu.memory_space<hbm>>
    %dma_wait3A_26 = tpu.memref_squeeze %dma_wait3A_25 : memref<1x125x80xi32, #tpu.memory_space<hbm>> -> memref<125x80xi32, #tpu.memory_space<hbm>>
    %dma_wait3A_27 = arith.constant 0 : i32
    %dma_wait3A_28 = arith.constant 0 : i32
    %dma_wait3A_29 = tpu.memref_slice %arg4[%add3A, %dma_wait3A_27, %dma_wait3A_28] : memref<32x125x80xi32, #tpu.memory_space<hbm>> -> memref<1x125x80xi32, #tpu.memory_space<hbm>>
    %dma_wait3A_30 = tpu.memref_squeeze %dma_wait3A_29 : memref<1x125x80xi32, #tpu.memory_space<hbm>> -> memref<125x80xi32, #tpu.memory_space<hbm>>
    tpu.wait_dma2 semaphore(%arg11 : memref<!tpu.dma_semaphore, #tpu.memory_space<semaphore_mem>>) src(%dma_wait3A_30 : memref<125x80xi32, #tpu.memory_space<hbm>>) dst(%arg9 : memref<125x80xi32, #tpu.memory_space<vmem>>)
    %scan3A = arith.constant 0 : i32
    %scan3A_31 = arith.constant 4 : i32
    %scan3A_32 = arith.addi %scan3A, %scan3A_31 : i32
    %scan3A_33 = arith.constant 1 : i32
    scf.for %scan3A_46 = %scan3A to %scan3A_32 step %scan3A_33  : i32 {
      %mul3A_47 = arith.constant 1 : i32
      %mul3A_48 = arith.muli %scan3A_46, %mul3A_47 : i32
      %add3A_49 = arith.constant 0 : i32
      %add3A_50 = arith.addi %add3A_49, %mul3A_48 : i32
      %mul3A_51 = arith.constant 640 : i32
      %mul3A_52 = arith.muli %arg1, %mul3A_51 : i32
      %mul3A_53 = arith.constant 160 : i32
      %mul3A_54 = arith.muli %add3A_50, %mul3A_53 : i32
      %add3A_55 = arith.addi %mul3A_52, %mul3A_54 : i32
      "tpu.region"() ({
        %run_scoped3A = tpu.sem_alloc : memref<!tpu.dma_semaphore, #tpu.memory_space<semaphore_mem>>
        %dma_start3A_56 = arith.constant 0 : i32
        %dma_start3A_57 = tpu.memref_slice %arg7[%add3A_55, %dma_start3A_56] : memref<10240x128xf32, #tpu.memory_space<vmem_shared>> -> memref<160x128xf32, #tpu.memory_space<vmem_shared>>
        tpu.enqueue_dma source(%arg5 : memref<160x128xf32, #tpu.memory_space<hbm>>) target(%dma_start3A_57 : memref<160x128xf32, #tpu.memory_space<vmem_shared>>) target_semaphore(%run_scoped3A : memref<!tpu.dma_semaphore, #tpu.memory_space<semaphore_mem>>)
        %dma_wait3A_58 = arith.constant 0 : i32
        %dma_wait3A_59 = tpu.memref_slice %arg7[%add3A_55, %dma_wait3A_58] : memref<10240x128xf32, #tpu.memory_space<vmem_shared>> -> memref<160x128xf32, #tpu.memory_space<vmem_shared>>
        tpu.wait_dma2 semaphore(%run_scoped3A : memref<!tpu.dma_semaphore, #tpu.memory_space<semaphore_mem>>) src(%arg5 : memref<160x128xf32, #tpu.memory_space<hbm>>) dst(%dma_wait3A_59 : memref<160x128xf32, #tpu.memory_space<vmem_shared>>)
        tpu.yield
      }) : () -> ()
    }
    %scan3A_34 = arith.constant 4 : i32
    %barrier3A = arith.constant 0 : index
    tpu.barrier barrier_id(%barrier3A)
    %scan3A_35 = arith.constant 0 : i32
    %scan3A_36 = arith.constant 125 : i32
    %scan3A_37 = arith.addi %scan3A_35, %scan3A_36 : i32
    %scan3A_38 = arith.constant 1 : i32
    scf.for %scan3A_46 = %scan3A_35 to %scan3A_37 step %scan3A_38  : i32 {
      %mul3A_47 = arith.constant 1 : i32
      %mul3A_48 = arith.muli %scan3A_46, %mul3A_47 : i32
      %add3A_49 = arith.constant 0 : i32
      %add3A_50 = arith.addi %add3A_49, %mul3A_48 : i32
      %dma_start3A_51 = arith.constant 0 : i32
      %dma_start3A_52 = tpu.memref_slice %arg8[%add3A_50, %dma_start3A_51] : memref<125x80xi32, #tpu.memory_space<vmem>> -> memref<1x80xi32, #tpu.memory_space<vmem>>
      %dma_start3A_53 = tpu.memref_squeeze %dma_start3A_52 : memref<1x80xi32, #tpu.memory_space<vmem>> -> memref<80xi32, #tpu.memory_space<vmem>>
      %dma_start3A_54 = arith.constant 0 : i32
      %dma_start3A_55 = arith.constant 0 : i32
      %dma_start3A_56 = tpu.memref_slice %arg2[%dma_start3A_54, %dma_start3A_55] : memref<10000x128xf32, #tpu.memory_space<hbm>> -> memref<10000x128xf32, #tpu.memory_space<hbm>>
      tpu.enqueue_indirect_dma source(%dma_start3A_56 : memref<10000x128xf32, #tpu.memory_space<hbm>>) target(%arg10 : memref<80x128xf32, #tpu.memory_space<vmem>>) offsets(%dma_start3A_53 : memref<80xi32, #tpu.memory_space<vmem>>) semaphore(%arg11 : memref<!tpu.dma_semaphore, #tpu.memory_space<semaphore_mem>>)
      %dma_wait3A_57 = arith.constant 0 : i32
      %dma_wait3A_58 = tpu.memref_slice %arg8[%add3A_50, %dma_wait3A_57] : memref<125x80xi32, #tpu.memory_space<vmem>> -> memref<1x80xi32, #tpu.memory_space<vmem>>
      %dma_wait3A_59 = tpu.memref_squeeze %dma_wait3A_58 : memref<1x80xi32, #tpu.memory_space<vmem>> -> memref<80xi32, #tpu.memory_space<vmem>>
      %dma_wait3A_60 = arith.constant 0 : i32
      %dma_wait3A_61 = arith.constant 0 : i32
      %dma_wait3A_62 = tpu.memref_slice %arg2[%dma_wait3A_60, %dma_wait3A_61] : memref<10000x128xf32, #tpu.memory_space<hbm>> -> memref<10000x128xf32, #tpu.memory_space<hbm>>
      tpu.wait_indirect_dma semaphore(%arg11 : memref<!tpu.dma_semaphore, #tpu.memory_space<semaphore_mem>>) src(%dma_wait3A_62 : memref<10000x128xf32, #tpu.memory_space<hbm>>) dst(%arg10 : memref<80x128xf32, #tpu.memory_space<vmem>>)
      "tpu.region"() ({
        %run_scoped3A = tpu.sem_alloc : memref<!tpu.dma_semaphore, #tpu.memory_space<semaphore_mem>>
        %dma_start3A_63 = arith.constant 0 : i32
        %dma_start3A_64 = tpu.memref_slice %arg9[%add3A_50, %dma_start3A_63] : memref<125x80xi32, #tpu.memory_space<vmem>> -> memref<1x80xi32, #tpu.memory_space<vmem>>
        %dma_start3A_65 = tpu.memref_squeeze %dma_start3A_64 : memref<1x80xi32, #tpu.memory_space<vmem>> -> memref<80xi32, #tpu.memory_space<vmem>>
        %dma_start3A_66 = arith.constant 0 : i32
        %dma_start3A_67 = arith.constant 0 : i32
        %dma_start3A_68 = tpu.memref_slice %arg7[%dma_start3A_66, %dma_start3A_67] : memref<10240x128xf32, #tpu.memory_space<vmem_shared>> -> memref<10240x128xf32, #tpu.memory_space<vmem_shared>>
        tpu.enqueue_indirect_dma source(%arg10 : memref<80x128xf32, #tpu.memory_space<vmem>>) target(%dma_start3A_68 : memref<10240x128xf32, #tpu.memory_space<vmem_shared>>) offsets(%dma_start3A_65 : memref<80xi32, #tpu.memory_space<vmem>>) semaphore(%run_scoped3A : memref<!tpu.dma_semaphore, #tpu.memory_space<semaphore_mem>>) {add = true}
        %dma_wait3A_69 = arith.constant 0 : i32
        %dma_wait3A_70 = tpu.memref_slice %arg9[%add3A_50, %dma_wait3A_69] : memref<125x80xi32, #tpu.memory_space<vmem>> -> memref<1x80xi32, #tpu.memory_space<vmem>>
        %dma_wait3A_71 = tpu.memref_squeeze %dma_wait3A_70 : memref<1x80xi32, #tpu.memory_space<vmem>> -> memref<80xi32, #tpu.memory_space<vmem>>
        %dma_wait3A_72 = arith.constant 0 : i32
        %dma_wait3A_73 = arith.constant 0 : i32
        %dma_wait3A_74 = tpu.memref_slice %arg7[%dma_wait3A_72, %dma_wait3A_73] : memref<10240x128xf32, #tpu.memory_space<vmem_shared>> -> memref<10240x128xf32, #tpu.memory_space<vmem_shared>>
        tpu.wait_indirect_dma semaphore(%run_scoped3A : memref<!tpu.dma_semaphore, #tpu.memory_space<semaphore_mem>>) src(%arg10 : memref<80x128xf32, #tpu.memory_space<vmem>>) dst(%dma_wait3A_74 : memref<10240x128xf32, #tpu.memory_space<vmem_shared>>)
        tpu.yield
      }) : () -> ()
    }
    %scan3A_39 = arith.constant 125 : i32
    %barrier3A_40 = arith.constant 0 : index
    tpu.barrier barrier_id(%barrier3A_40)
    %scan3A_41 = arith.constant 0 : i32
    %scan3A_42 = arith.constant 4 : i32
    %scan3A_43 = arith.addi %scan3A_41, %scan3A_42 : i32
    %scan3A_44 = arith.constant 1 : i32
    scf.for %scan3A_46 = %scan3A_41 to %scan3A_43 step %scan3A_44  : i32 {
      %mul3A_47 = arith.constant 1 : i32
      %mul3A_48 = arith.muli %scan3A_46, %mul3A_47 : i32
      %add3A_49 = arith.constant 0 : i32
      %add3A_50 = arith.addi %add3A_49, %mul3A_48 : i32
      %mul3A_51 = arith.constant 640 : i32
      %mul3A_52 = arith.muli %arg1, %mul3A_51 : i32
      %mul3A_53 = arith.constant 160 : i32
      %mul3A_54 = arith.muli %add3A_50, %mul3A_53 : i32
      %add3A_55 = arith.addi %mul3A_52, %mul3A_54 : i32
      %mul3A_56 = arith.constant 640 : i32
      %mul3A_57 = arith.muli %arg1, %mul3A_56 : i32
      %mul3A_58 = arith.constant 160 : i32
      %mul3A_59 = arith.muli %add3A_50, %mul3A_58 : i32
      %add3A_60 = arith.addi %mul3A_57, %mul3A_59 : i32
      "tpu.region"() ({
        %run_scoped3A = tpu.sem_alloc : memref<!tpu.dma_semaphore, #tpu.memory_space<semaphore_mem>>
        %dma_start3A_61 = arith.constant 0 : i32
        %dma_start3A_62 = tpu.memref_slice %arg6[%arg0, %add3A_60, %dma_start3A_61] : memref<2x10240x128xf32, #tpu.memory_space<hbm>> -> memref<1x160x128xf32, #tpu.memory_space<hbm>>
        %dma_start3A_63 = tpu.memref_squeeze %dma_start3A_62 : memref<1x160x128xf32, #tpu.memory_space<hbm>> -> memref<160x128xf32, #tpu.memory_space<hbm>>
        %dma_start3A_64 = arith.constant 0 : i32
        %dma_start3A_65 = tpu.memref_slice %arg7[%add3A_55, %dma_start3A_64] : memref<10240x128xf32, #tpu.memory_space<vmem_shared>> -> memref<160x128xf32, #tpu.memory_space<vmem_shared>>
        tpu.enqueue_dma source(%dma_start3A_65 : memref<160x128xf32, #tpu.memory_space<vmem_shared>>) target(%dma_start3A_63 : memref<160x128xf32, #tpu.memory_space<hbm>>) target_semaphore(%run_scoped3A : memref<!tpu.dma_semaphore, #tpu.memory_space<semaphore_mem>>)
        %dma_wait3A_66 = arith.constant 0 : i32
        %dma_wait3A_67 = tpu.memref_slice %arg6[%arg0, %add3A_60, %dma_wait3A_66] : memref<2x10240x128xf32, #tpu.memory_space<hbm>> -> memref<1x160x128xf32, #tpu.memory_space<hbm>>
        %dma_wait3A_68 = tpu.memref_squeeze %dma_wait3A_67 : memref<1x160x128xf32, #tpu.memory_space<hbm>> -> memref<160x128xf32, #tpu.memory_space<hbm>>
        %dma_wait3A_69 = arith.constant 0 : i32
        %dma_wait3A_70 = tpu.memref_slice %arg7[%add3A_55, %dma_wait3A_69] : memref<10240x128xf32, #tpu.memory_space<vmem_shared>> -> memref<160x128xf32, #tpu.memory_space<vmem_shared>>
        tpu.wait_dma2 semaphore(%run_scoped3A : memref<!tpu.dma_semaphore, #tpu.memory_space<semaphore_mem>>) src(%dma_wait3A_70 : memref<160x128xf32, #tpu.memory_space<vmem_shared>>) dst(%dma_wait3A_68 : memref<160x128xf32, #tpu.memory_space<hbm>>)
        tpu.yield
      }) : () -> ()
    }
    %scan3A_45 = arith.constant 4 : i32
    return
  }
}

module attributes {stable_mosaic.version = 14 : i64} {
  func.func @body(%arg0: i32, %arg1: memref<32x1280xf32, #tpu.memory_space<vmem>>, %arg2: memref<1x1280xf32, #tpu.memory_space<vmem>>) attributes {dimension_semantics = [#tpu.dimension_semantics<arbitrary>], iteration_bounds = array<i64: 8>, scalar_prefetch = 0 : i64, scratch_operands = 0 : i64, tpu.core_type = #tpu.core_type<tc>, window_params = [{transform_indices = @transform_0, window_bounds = array<i64: 32, 1280>}, {transform_indices = @transform_1, window_bounds = array<i64: 1, 1280>}]} {
    %get3A = arith.constant 0 : index
    %get3A_0 = arith.constant 0 : index
    %get3A_1 = vector.load %arg1[%get3A, %get3A_0] : memref<32x1280xf32, #tpu.memory_space<vmem>>, vector<32x1280xf32>
    %reduce_sum3A = arith.constant dense<0.000000e+00> : vector<1280xf32>
    %reduce_sum3A_2 = vector.multi_reduction <add>, %get3A_1, %reduce_sum3A [0] : vector<32x1280xf32> to vector<1280xf32>
    %broadcast_in_dim3A = vector.shape_cast %reduce_sum3A_2 : vector<1280xf32> to vector<1x1280xf32>
    %add3A = arith.constant 1.000000e+00 : f32
    %add3A_3 = vector.broadcast %add3A : f32 to vector<1x1280xf32>
    %add3A_4 = arith.addf %broadcast_in_dim3A, %add3A_3 : vector<1x1280xf32>
    %rsqrt3A = math.rsqrt %add3A_4 : vector<1x1280xf32>
    %swap3A = arith.constant 0 : index
    %swap3A_5 = arith.constant 0 : index
    %swap3A_6 = vector.load %arg2[%swap3A, %swap3A_5] : memref<1x1280xf32, #tpu.memory_space<vmem>>, vector<1x1280xf32>
    tpu.vector_store %arg2[%swap3A, %swap3A_5], %rsqrt3A {strides = array<i32>} : memref<1x1280xf32, #tpu.memory_space<vmem>>, vector<1x1280xf32>,
    return
  }
  func.func @transform_0(%arg0: i32) -> (i32, i32) {
    %c0_i32 = arith.constant 0 : i32
    %c0_i32_0 = arith.constant 0 : i32
    return %c0_i32, %arg0 : i32, i32
  }
  func.func @transform_1(%arg0: i32) -> (i32, i32) {
    %c0_i32 = arith.constant 0 : i32
    %c0_i32_0 = arith.constant 0 : i32
    return %c0_i32, %arg0 : i32, i32
  }
}

module attributes {stable_mosaic.version = 14 : i64} {
  func.func @body(%arg0: i32, %arg1: memref<2000x128xf32, #tpu.memory_space<vmem>>, %arg2: memref<128x128xf32, #tpu.memory_space<vmem>>, %arg3: memref<2000x1xf32, #tpu.memory_space<vmem>>, %arg4: memref<2000x128xf32, #tpu.memory_space<vmem>>) attributes {dimension_semantics = [#tpu.dimension_semantics<arbitrary>], iteration_bounds = array<i64: 5>, scalar_prefetch = 0 : i64, scratch_operands = 0 : i64, tpu.core_type = #tpu.core_type<tc>, window_params = [{transform_indices = @transform_0, window_bounds = array<i64: 2000, 128>}, {pipeline_mode = #tpu.pipeline_mode<synchronous>, transform_indices = @transform_1, window_bounds = array<i64: 128, 128>}, {transform_indices = @transform_2, window_bounds = array<i64: 2000, 1>}, {transform_indices = @transform_3, window_bounds = array<i64: 2000, 128>}]} {
    %get3A = arith.constant 0 : index
    %get3A_0 = arith.constant 0 : index
    %get3A_1 = vector.load %arg1[%get3A, %get3A_0] : memref<2000x128xf32, #tpu.memory_space<vmem>>, vector<2000x128xf32>
    %get3A_2 = arith.constant 0 : index
    %get3A_3 = arith.constant 0 : index
    %get3A_4 = vector.load %arg2[%get3A_2, %get3A_3] : memref<128x128xf32, #tpu.memory_space<vmem>>, vector<128x128xf32>
    %dot_general3A = arith.constant dense<0.000000e+00> : vector<2000x128xf32>
    %dot_general3A_5 = tpu.matmul %get3A_1, %get3A_4, %dot_general3A {dimension_numbers = #tpu.dot_dimension_numbers<[1], [0], [0], [1], [0, 0, 1, 1], [], []>, transpose_lhs_hint = false} : vector<2000x128xf32>, vector<128x128xf32>, vector<2000x128xf32> -> vector<2000x128xf32>
    %get3A_6 = arith.constant 0 : index
    %get3A_7 = arith.constant 0 : index
    %get3A_8 = vector.load %arg3[%get3A_6, %get3A_7] : memref<2000x1xf32, #tpu.memory_space<vmem>>, vector<2000x1xf32>
    %mul3A = vector.broadcast %get3A_8 : vector<2000x1xf32> to vector<2000x128xf32>
    %mul3A_9 = arith.mulf %dot_general3A_5, %mul3A : vector<2000x128xf32>
    %swap3A = arith.constant 0 : index
    %swap3A_10 = arith.constant 0 : index
    %swap3A_11 = vector.load %arg4[%swap3A, %swap3A_10] : memref<2000x128xf32, #tpu.memory_space<vmem>>, vector<2000x128xf32>
    tpu.vector_store %arg4[%swap3A, %swap3A_10], %mul3A_9 {strides = array<i32>} : memref<2000x128xf32, #tpu.memory_space<vmem>>, vector<2000x128xf32>,
    return
  }
  func.func @transform_0(%arg0: i32) -> (i32, i32) {
    %c0_i32 = arith.constant 0 : i32
    %c0_i32_0 = arith.constant 0 : i32
    return %arg0, %c0_i32 : i32, i32
  }
  func.func @transform_1(%arg0: i32) -> (i32, i32) {
    %c0_i32 = arith.constant 0 : i32
    %c0_i32_0 = arith.constant 0 : i32
    %c0_i32_1 = arith.constant 0 : i32
    return %c0_i32, %c0_i32_0 : i32, i32
  }
  func.func @transform_2(%arg0: i32) -> (i32, i32) {
    %c0_i32 = arith.constant 0 : i32
    %c0_i32_0 = arith.constant 0 : i32
    return %arg0, %c0_i32 : i32, i32
  }
  func.func @transform_3(%arg0: i32) -> (i32, i32) {
    %c0_i32 = arith.constant 0 : i32
    %c0_i32_0 = arith.constant 0 : i32
    return %arg0, %c0_i32 : i32, i32
  }
}

module attributes {stable_mosaic.version = 14 : i64} {
  func.func @body(%arg0: i32, %arg1: i32, %arg2: memref<2x2000x128xf32, #tpu.memory_space<vmem>>, %arg3: memref<2000x128xf32, #tpu.memory_space<vmem>>, %arg4: memref<2000x1xf32, #tpu.memory_space<vmem>>, %arg5: memref<1x128xf32, #tpu.memory_space<vmem>>, %arg6: memref<1x128xf32, #tpu.memory_space<vmem>>, %arg7: memref<1x128xf32, #tpu.memory_space<vmem>>, %arg8: memref<2000x128xf32, #tpu.memory_space<vmem>>, %arg9: memref<2x128xf32, #tpu.memory_space<vmem>>) attributes {dimension_semantics = [#tpu.dimension_semantics<arbitrary>, #tpu.dimension_semantics<arbitrary>], iteration_bounds = array<i64: 2, 5>, scalar_prefetch = 0 : i64, scratch_operands = 1 : i64, tpu.core_type = #tpu.core_type<tc>, window_params = [{transform_indices = @transform_0, window_bounds = array<i64: 2, 2000, 128>}, {transform_indices = @transform_1, window_bounds = array<i64: 2000, 128>}, {transform_indices = @transform_2, window_bounds = array<i64: 2000, 1>}, {pipeline_mode = #tpu.pipeline_mode<synchronous>, transform_indices = @transform_3, window_bounds = array<i64: 1, 128>}, {pipeline_mode = #tpu.pipeline_mode<synchronous>, transform_indices = @transform_4, window_bounds = array<i64: 1, 128>}, {pipeline_mode = #tpu.pipeline_mode<synchronous>, transform_indices = @transform_5, window_bounds = array<i64: 1, 128>}, {transform_indices = @transform_6, window_bounds = array<i64: 2000, 128>}]} {
    %get3A = arith.constant 0 : index
    %get3A_0 = arith.constant 0 : index
    %get3A_1 = arith.constant 0 : index
    %get3A_2 = vector.load %arg2[%get3A, %get3A_0, %get3A_1] : memref<2x2000x128xf32, #tpu.memory_space<vmem>>, vector<1x2000x128xf32>
    %get3A_3 = vector.shape_cast %get3A_2 : vector<1x2000x128xf32> to vector<2000x128xf32>
    %get3A_4 = arith.constant 1 : index
    %get3A_5 = arith.constant 0 : index
    %get3A_6 = arith.constant 0 : index
    %get3A_7 = vector.load %arg2[%get3A_4, %get3A_5, %get3A_6] : memref<2x2000x128xf32, #tpu.memory_space<vmem>>, vector<1x2000x128xf32>
    %get3A_8 = vector.shape_cast %get3A_7 : vector<1x2000x128xf32> to vector<2000x128xf32>
    %add3A = arith.addf %get3A_3, %get3A_8 : vector<2000x128xf32>
    %get3A_9 = arith.constant 0 : index
    %get3A_10 = arith.constant 0 : index
    %get3A_11 = vector.load %arg3[%get3A_9, %get3A_10] : memref<2000x128xf32, #tpu.memory_space<vmem>>, vector<2000x128xf32>
    %add3A_12 = arith.addf %add3A, %get3A_11 : vector<2000x128xf32>
    %get3A_13 = arith.constant 0 : index
    %get3A_14 = arith.constant 0 : index
    %get3A_15 = vector.load %arg4[%get3A_13, %get3A_14] : memref<2000x1xf32, #tpu.memory_space<vmem>>, vector<2000x1xf32>
    %mul3A = vector.broadcast %get3A_15 : vector<2000x1xf32> to vector<2000x128xf32>
    %mul3A_16 = arith.mulf %add3A_12, %mul3A : vector<2000x128xf32>
    %get3A_17 = arith.constant 0 : index
    %get3A_18 = arith.constant 0 : index
    %get3A_19 = vector.load %arg5[%get3A_17, %get3A_18] : memref<1x128xf32, #tpu.memory_space<vmem>>, vector<1x128xf32>
    %add3A_20 = vector.broadcast %get3A_19 : vector<1x128xf32> to vector<2000x128xf32>
    %add3A_21 = arith.addf %mul3A_16, %add3A_20 : vector<2000x128xf32>
    %max3A = arith.constant 0.000000e+00 : f32
    %max3A_22 = vector.broadcast %max3A : f32 to vector<2000x128xf32>
    %max3A_23 = arith.maximumf %add3A_21, %max3A_22 : vector<2000x128xf32>
    %eq3A = arith.constant 0 : i32
    %eq3A_24 = arith.cmpi eq, %arg0, %eq3A : i32
    %eq3A_25 = arith.constant 0 : i32
    %eq3A_26 = arith.cmpi eq, %arg1, %eq3A_25 : i32
    %and3A = arith.andi %eq3A_24, %eq3A_26 : i1
    %convert_element_type3A = arith.extui %and3A : i1 to i32
    %cond3A = arith.constant 0 : i32
    %cond3A_27 = arith.cmpi ne, %convert_element_type3A, %cond3A : i32
    scf.if %cond3A_27 {
      %broadcast_in_dim3A = arith.constant 0.000000e+00 : f32
      %broadcast_in_dim3A_38 = vector.broadcast %broadcast_in_dim3A : f32 to vector<2x128xf32>
      %swap3A = arith.constant 0 : index
      %swap3A_39 = arith.constant 0 : index
      %swap3A_40 = vector.load %arg9[%swap3A, %swap3A_39] : memref<2x128xf32, #tpu.memory_space<vmem>>, vector<2x128xf32>
      tpu.vector_store %arg9[%swap3A, %swap3A_39], %broadcast_in_dim3A_38 {strides = array<i32>} : memref<2x128xf32, #tpu.memory_space<vmem>>, vector<2x128xf32>,
    } else {
    }
    %eq3A_28 = arith.constant 0 : i32
    %eq3A_29 = arith.cmpi eq, %arg0, %eq3A_28 : i32
    %convert_element_type3A_30 = arith.extui %eq3A_29 : i1 to i32
    %cond3A_31 = arith.constant 0 : i32
    %cond3A_32 = arith.cmpi ne, %convert_element_type3A_30, %cond3A_31 : i32
    scf.if %cond3A_32 {
      %get3A_38 = arith.constant 0 : index
      %get3A_39 = arith.constant 0 : index
      %get3A_40 = vector.load %arg9[%get3A_38, %get3A_39] : memref<2x128xf32, #tpu.memory_space<vmem>>, vector<1x128xf32>
      %reduce_sum3A = arith.constant dense<0.000000e+00> : vector<128xf32>
      %reduce_sum3A_41 = vector.multi_reduction <add>, %max3A_23, %reduce_sum3A [0] : vector<2000x128xf32> to vector<128xf32>
      %broadcast_in_dim3A = vector.shape_cast %reduce_sum3A_41 : vector<128xf32> to vector<1x128xf32>
      %add3A_42 = arith.addf %get3A_40, %broadcast_in_dim3A : vector<1x128xf32>
      %swap3A = arith.constant 0 : index
      %swap3A_43 = arith.constant 0 : index
      %swap3A_44 = vector.load %arg9[%swap3A, %swap3A_43] : memref<2x128xf32, #tpu.memory_space<vmem>>, vector<1x128xf32>
      tpu.vector_store %arg9[%swap3A, %swap3A_43], %add3A_42 {strides = array<i32>} : memref<2x128xf32, #tpu.memory_space<vmem>>, vector<1x128xf32>,
      %get3A_45 = arith.constant 1 : index
      %get3A_46 = arith.constant 0 : index
      %get3A_47 = vector.load %arg9[%get3A_45, %get3A_46] : memref<2x128xf32, #tpu.memory_space<vmem>>, vector<1x128xf32>
      %mul3A_48 = arith.mulf %max3A_23, %max3A_23 : vector<2000x128xf32>
      %reduce_sum3A_49 = arith.constant dense<0.000000e+00> : vector<128xf32>
      %reduce_sum3A_50 = vector.multi_reduction <add>, %mul3A_48, %reduce_sum3A_49 [0] : vector<2000x128xf32> to vector<128xf32>
      %broadcast_in_dim3A_51 = vector.shape_cast %reduce_sum3A_50 : vector<128xf32> to vector<1x128xf32>
      %add3A_52 = arith.addf %get3A_47, %broadcast_in_dim3A_51 : vector<1x128xf32>
      %swap3A_53 = arith.constant 1 : index
      %swap3A_54 = arith.constant 0 : index
      %swap3A_55 = vector.load %arg9[%swap3A_53, %swap3A_54] : memref<2x128xf32, #tpu.memory_space<vmem>>, vector<1x128xf32>
      tpu.vector_store %arg9[%swap3A_53, %swap3A_54], %add3A_52 {strides = array<i32>} : memref<2x128xf32, #tpu.memory_space<vmem>>, vector<1x128xf32>,
    } else {
    }
    %eq3A_33 = arith.constant 1 : i32
    %eq3A_34 = arith.cmpi eq, %arg0, %eq3A_33 : i32
    %convert_element_type3A_35 = arith.extui %eq3A_34 : i1 to i32
    %cond3A_36 = arith.constant 0 : i32
    %cond3A_37 = arith.cmpi ne, %convert_element_type3A_35, %cond3A_36 : i32
    scf.if %cond3A_37 {
      %get3A_38 = arith.constant 0 : index
      %get3A_39 = arith.constant 0 : index
      %get3A_40 = vector.load %arg9[%get3A_38, %get3A_39] : memref<2x128xf32, #tpu.memory_space<vmem>>, vector<1x128xf32>
      %mul3A_41 = arith.constant 9.99999974E-5 : f32
      %mul3A_42 = vector.broadcast %mul3A_41 : f32 to vector<1x128xf32>
      %mul3A_43 = arith.mulf %get3A_40, %mul3A_42 : vector<1x128xf32>
      %get3A_44 = arith.constant 1 : index
      %get3A_45 = arith.constant 0 : index
      %get3A_46 = vector.load %arg9[%get3A_44, %get3A_45] : memref<2x128xf32, #tpu.memory_space<vmem>>, vector<1x128xf32>
      %mul3A_47 = arith.constant 9.99999974E-5 : f32
      %mul3A_48 = vector.broadcast %mul3A_47 : f32 to vector<1x128xf32>
      %mul3A_49 = arith.mulf %get3A_46, %mul3A_48 : vector<1x128xf32>
      %mul3A_50 = arith.mulf %mul3A_43, %mul3A_43 : vector<1x128xf32>
      %sub3A = arith.subf %mul3A_49, %mul3A_50 : vector<1x128xf32>
      %sub3A_51 = vector.broadcast %mul3A_43 : vector<1x128xf32> to vector<2000x128xf32>
      %sub3A_52 = arith.subf %max3A_23, %sub3A_51 : vector<2000x128xf32>
      %add3A_53 = arith.constant 9.99999974E-6 : f32
      %add3A_54 = vector.broadcast %add3A_53 : f32 to vector<1x128xf32>
      %add3A_55 = arith.addf %sub3A, %add3A_54 : vector<1x128xf32>
      %rsqrt3A = math.rsqrt %add3A_55 : vector<1x128xf32>
      %mul3A_56 = vector.broadcast %rsqrt3A : vector<1x128xf32> to vector<2000x128xf32>
      %mul3A_57 = arith.mulf %sub3A_52, %mul3A_56 : vector<2000x128xf32>
      %get3A_58 = arith.constant 0 : index
      %get3A_59 = arith.constant 0 : index
      %get3A_60 = vector.load %arg6[%get3A_58, %get3A_59] : memref<1x128xf32, #tpu.memory_space<vmem>>, vector<1x128xf32>
      %mul3A_61 = vector.broadcast %get3A_60 : vector<1x128xf32> to vector<2000x128xf32>
      %mul3A_62 = arith.mulf %mul3A_57, %mul3A_61 : vector<2000x128xf32>
      %get3A_63 = arith.constant 0 : index
      %get3A_64 = arith.constant 0 : index
      %get3A_65 = vector.load %arg7[%get3A_63, %get3A_64] : memref<1x128xf32, #tpu.memory_space<vmem>>, vector<1x128xf32>
      %add3A_66 = vector.broadcast %get3A_65 : vector<1x128xf32> to vector<2000x128xf32>
      %add3A_67 = arith.addf %mul3A_62, %add3A_66 : vector<2000x128xf32>
      %swap3A = arith.constant 0 : index
      %swap3A_68 = arith.constant 0 : index
      %swap3A_69 = vector.load %arg8[%swap3A, %swap3A_68] : memref<2000x128xf32, #tpu.memory_space<vmem>>, vector<2000x128xf32>
      tpu.vector_store %arg8[%swap3A, %swap3A_68], %add3A_67 {strides = array<i32>} : memref<2000x128xf32, #tpu.memory_space<vmem>>, vector<2000x128xf32>,
    } else {
    }
    return
  }
  func.func @transform_0(%arg0: i32, %arg1: i32) -> (i32, i32, i32) {
    %c0_i32 = arith.constant 0 : i32
    %c0_i32_0 = arith.constant 0 : i32
    %c0_i32_1 = arith.constant 0 : i32
    return %c0_i32, %arg1, %c0_i32_0 : i32, i32, i32
  }
  func.func @transform_1(%arg0: i32, %arg1: i32) -> (i32, i32) {
    %c0_i32 = arith.constant 0 : i32
    %c0_i32_0 = arith.constant 0 : i32
    return %arg1, %c0_i32 : i32, i32
  }
  func.func @transform_2(%arg0: i32, %arg1: i32) -> (i32, i32) {
    %c0_i32 = arith.constant 0 : i32
    %c0_i32_0 = arith.constant 0 : i32
    return %arg1, %c0_i32 : i32, i32
  }
  func.func @transform_3(%arg0: i32, %arg1: i32) -> (i32, i32) {
    %c0_i32 = arith.constant 0 : i32
    %c0_i32_0 = arith.constant 0 : i32
    %c0_i32_1 = arith.constant 0 : i32
    return %c0_i32, %c0_i32_0 : i32, i32
  }
  func.func @transform_4(%arg0: i32, %arg1: i32) -> (i32, i32) {
    %c0_i32 = arith.constant 0 : i32
    %c0_i32_0 = arith.constant 0 : i32
    %c0_i32_1 = arith.constant 0 : i32
    return %c0_i32, %c0_i32_0 : i32, i32
  }
  func.func @transform_5(%arg0: i32, %arg1: i32) -> (i32, i32) {
    %c0_i32 = arith.constant 0 : i32
    %c0_i32_0 = arith.constant 0 : i32
    %c0_i32_1 = arith.constant 0 : i32
    return %c0_i32, %c0_i32_0 : i32, i32
  }
  func.func @transform_6(%arg0: i32, %arg1: i32) -> (i32, i32) {
    %c0_i32 = arith.constant 0 : i32
    %c0_i32_0 = arith.constant 0 : i32
    return %arg1, %c0_i32 : i32, i32
  }
}

</mosaic_0001>

<sc_bundles>
// kernel: kernel.10.cloned.1.call-start
scs
__scs_entry_jumppad:
0x0: {  	(pc) =	sbr.rel $0x88, $3  }
0x1: {  	(tag) =	ssettag $0x0;
	lr =	simm.s32 $0x1  }
0x2: {  	[smem:$0x3F9B] =	sst lr;
	_ =	strace $0xD0000000  }
0x3: {  	_ = 	snop  }
0x4: {  	_ = 	snop  }
0x5: {  	_ = 	snop  }
0x6: {  	_ = 	snop  }
0x7: {  	_ = 	snop  }
__scs_overlays_trampoline_lowered:
0x8: {  	[smem:$0x3FAA] =	sst s0  }
0x9: {  	[smem:$0x3FAB] =	sst s1  }
0xa: {  	[smem:$0x3FAC] =	sst s2  }
0xb: {  	[smem:$0x3FAD] =	sst s3  }
0xc: {  	[smem:$0x3FAE] =	sst s4  }
0xd: {  	[smem:$0x3FAF] =	sst s5  }
0xe: {  	[smem:$0x3FB0] =	sst s6  }
0xf: {  	[smem:$0x3FB1] =	sst s7  }
0x10: {  	[smem:$0x3FB2] =	sst s8  }
0x11: {  	[smem:$0x3FB3] =	sst s9;
	s0 =	simm.s32 @!p0 $0x0  }
0x12: {  	s1 =	sld [smem:$0x3F99];
	s0 =	simm.s32 @p0 $0x1  }
0x13: {  	[smem:$0x3FB4] =	sst s0;
	s0 =	simm.s32 @!p1 $0x0  }
0x14: {  	s2 =	sld [smem:$0x3F98];
	s0 =	simm.s32 @p1 $0x1  }
0x15: {  	[smem:$0x3FB5] =	sst s0;
	s0 =	simm.s32 @!p2 $0x0  }
0x16: {  	s3 =	sld [smem:$0x3FDB];
	s0 =	simm.s32 @p2 $0x1  }
0x17: {  	s4 =	simm.s32 $0x1BF5;
	[smem:$0x3FB7] =	sst s0  }
0x18: {  	s0 =	sld [smem:$0x3F9A];
	_ =	swait.ge [sflag:s4], $0x0  }
0x19: {  	s7 =	sld [smem:$0x3F9B]  }
0x1a: {  	s8 =	sadd.s32 $0xFFFFE003, lr  }
0x1b: {  	s9 =	sadd.s32 $0xFFFFFEF7, lr;
	s5 =	simm.s32 $0xFFFFFFFF;
	p2 =	slt.u32 s8, $0xFFFFF086  }
0x1c: {  	p1 =	slt.u32 s9, $0xF7A;
	s5 =	simm.s32 @!p2 $0x0  }
0x1d: {  	s5 =	simm.s32 @p1 $0x1;
	p0 =	seq.s32 s7, s2  }
0x1e: {  	s7 =	smul.u32 @!p0 $0xF7A, s2;
	p2 =	seq.s32 @!p0 s5, $0x0  }
0x1f: {  	s9 =	smul.u32 $0xF7A, s1;
	s8 =	simm.s32 @!p0 $0x1BF5;
	p2 =	por !p2, p0  }
0x20: {  	[sflag:s8] =	ssyncset.s32 @!p0 $0xFFFFF086;
	s6 =	sadd.s32 @!p0 s3, s7;
	s7 =	simm.s32 @!p0 $0x108  }
0x21: {  	s3 =	sadd.s32 s3, s9;
	s6 =	sadd.s32 @!p0 $0x88, s6;
	s7 =	simm.s32 @p2 $0x1082  }
0x22: {  	[simem:s7], [sflag:s8] =	dma.local @!p0 [hbm:s6], $0xF7A  }
0x23: {  	s9 =	sor.u32 $0xD0000000, s2;
	s6 =	simm.s32 $0x108;
	_ =	swait.ge @!p0 [sflag:s8], $0x0  }
0x24: {  	s3 =	sadd.s32 $0x88, s3;
	s6 =	simm.s32 @!p1 $0x1082;
	[sflag:s4] =	ssyncset.s32 $0xFFFFF086  }
0x25: {  	[simem:s6], [sflag:s4] =	dma.local [hbm:s3], $0xF7A  }
0x26: {  	[smem:$0x3F9B] =	sst s1;
	(tag) =	ssettag s2;
	_ =	strace s9  }
0x27: {  	s1 =	sld [smem:$0x3FAB]  }
0x28: {  	s2 =	sld [smem:$0x3FAC]  }
0x29: {  	s4 =	sld [smem:$0x3FAE]  }
0x2a: {  	p0 =	seq.s32 s5, $0x0;
	s5 =	sld [smem:$0x3FAF]  }
0x2b: {  	s6 =	sld [smem:$0x3FB0]  }
0x2c: {  	s7 =	sld [smem:$0x3FB1]  }
0x2d: {  	s3 =	simm.s32 $0x108;
	s8 =	sld [smem:$0x3FB2]  }
0x2e: {  	s3 =	simm.s32 @!p0 $0x1082;
	s9 =	sld [smem:$0x3FB3]  }
0x2f: {  	lr =	sadd.s32 s0, s3;
	s0 =	sld [smem:$0x3FAA]  }
0x30: {  	s3 =	sld [smem:$0x3FAD]  }
0x31: {  	[smem:$0x3FB6] =	sst s10  }
0x32: {  	s10 =	sld [smem:$0x3FB4];
	_ =	sdelay $0x3  }
0x33: {  	p0 =	seq.s32 s10, $0x1;
	s10 =	sld [smem:$0x3FB6];
	_ =	sdelay $0x3  }
0x34: {  	[smem:$0x3FB6] =	sst s10  }
0x35: {  	s10 =	sld [smem:$0x3FB5];
	_ =	sdelay $0x3  }
0x36: {  	p1 =	seq.s32 s10, $0x1;
	s10 =	sld [smem:$0x3FB6];
	_ =	sdelay $0x3  }
0x37: {  	[smem:$0x3FB6] =	sst s10  }
0x38: {  	s10 =	sld [smem:$0x3FB7]  }
0x39: {  	_ = 	snop;
	(pc) =	sbr.ind lr, $3  }
0x3a: {  	_ = 	snop  }
0x3b: {  	_ = 	snop  }
0x3c: {  	p2 =	seq.s32 s10, $0x1;
	s10 =	sld [smem:$0x3FB6]  }
0x3d: {  	_ =	shalt  }
0x3e: {  	_ =	shalt  }
0x3f: {  	_ =	shalt  }
0x40: {  	_ =	shalt  }
0x41: {  	_ =	shalt  }
0x42: {  	_ =	shalt  }
0x43: {  	_ =	shalt  }
0x44: {  	_ =	shalt  }
0x45: {  	_ =	shalt  }
0x46: {  	_ =	shalt  }
0x47: {  	_ =	shalt  }
0x48: {  	_ =	shalt  }
0x49: {  	_ =	shalt  }
0x4a: {  	_ =	shalt  }
0x4b: {  	_ =	shalt  }
0x4c: {  	_ =	shalt  }
0x4d: {  	_ =	shalt  }
0x4e: {  	_ =	shalt  }
0x4f: {  	_ =	shalt  }
0x50: {  	_ =	shalt  }
0x51: {  	_ =	shalt  }
0x52: {  	_ =	shalt  }
0x53: {  	_ =	shalt  }
0x54: {  	_ =	shalt  }
0x55: {  	_ =	shalt  }
0x56: {  	_ =	shalt  }
0x57: {  	_ =	shalt  }
0x58: {  	_ =	shalt  }
0x59: {  	_ =	shalt  }
0x5a: {  	_ =	shalt  }
0x5b: {  	_ =	shalt  }
0x5c: {  	_ =	shalt  }
0x5d: {  	_ =	shalt  }
0x5e: {  	_ =	shalt  }
0x5f: {  	_ =	shalt  }
0x60: {  	_ =	shalt  }
0x61: {  	_ =	shalt  }
0x62: {  	_ =	shalt  }
0x63: {  	_ =	shalt  }
0x64: {  	_ =	shalt  }
0x65: {  	_ =	shalt  }
0x66: {  	_ =	shalt  }
0x67: {  	_ =	shalt  }
0x68: {  	_ =	shalt  }
0x69: {  	_ =	shalt  }
0x6a: {  	_ =	shalt  }
0x6b: {  	_ =	shalt  }
0x6c: {  	_ =	shalt  }
0x6d: {  	_ =	shalt  }
0x6e: {  	_ =	shalt  }
0x6f: {  	_ =	shalt  }
0x70: {  	_ =	shalt  }
0x71: {  	_ =	shalt  }
0x72: {  	_ =	shalt  }
0x73: {  	_ =	shalt  }
0x74: {  	_ =	shalt  }
0x75: {  	_ =	shalt  }
0x76: {  	_ =	shalt  }
0x77: {  	_ =	shalt  }
0x78: {  	_ =	shalt  }
0x79: {  	_ =	shalt  }
0x7a: {  	_ =	shalt  }
0x7b: {  	_ =	shalt  }
0x7c: {  	_ =	shalt  }
0x7d: {  	_ =	shalt  }
0x7e: {  	_ =	shalt  }
0x7f: {  	_ =	shalt  }
0x80: {  	_ =	shalt  }
0x81: {  	_ =	shalt  }
0x82: {  	_ =	shalt  }
0x83: {  	_ =	shalt  }
0x84: {  	_ =	shalt  }
0x85: {  	_ =	shalt  }
0x86: {  	_ =	shalt  }
0x87: {  	_ =	shalt  }
.Lfunc_end0:
.L_simem_size_0:
called_computation.1_lowered:
.L_overlay_start_0:
0x88: {  	s2 =	sld [smem:$0x3FD9]  }
0x89: {  	s3 =	sld [smem:$0x3FFE];
	_ =	sdelay $0x1  }
0x8a: {  	s1 =	srdreg.scid  }
0x8b: {  	s0 =	sand.u32 $0x1, s1  }
0x8c: {  	s17 =	sshll.u32 s0, $0xA;
	s2 =	sadd.s32 s3, s2  }
0x8d: {  	s2 =	sadd.s32 s2, s17  }
0x8e: {  	[smem:$0x3FC2] =	sst s2  }
0x8f: {  	_ = 	snop  }
0x90: {  	s2 =	sld [smem:$0x3FD0];
	(tm) =	ssettm $0x1  }
0x91: {  	s18 =	sld [smem:$0x3FFB];
	_ =	sdelay $0x3  }
0x92: {  	_ =	strace s18  }
0x93: {  	s3 =	sld [smem:$0x3FFC];
	_ =	sdelay $0x3  }
0x94: {  	_ =	strace s3  }
0x95: {  	s3 =	sld [smem:$0x3FFD];
	_ =	sdelay $0x3  }
0x96: {  	_ =	strace s3  }
0x97: {  	_ =	strace $0x8FFFFFFF  }
0x98: {  	s19 =	sld [smem:$0x3FDB];
	_ =	sdelay $0x1  }
0x99: {  	s4 =	simm.s32 $_scs_section_size  }
0x9a: {  	s5 =	simm.s32 $_size__tile_overlayer_lowered;
	s6 =	simm.s32 $_tile_overlayer_lowered  }
0x9b: {  	s22 =	simm.s32 $0x1BFF;
	s21 =	sshll.u32 s6, $0x1;
	s3 =	sadd.s32 s4, s19  }
0x9c: {  	s7 =	simm.s32 $0x0;
	s20 =	sshll.u32 s5, $0x1;
	s5 =	sadd.s32 s21, s3  }
0x9d: {  	[timem:s7], [sflag:s22] =	dma.local [hbm:s5], s20  }
0x9e: {  	_ =	swait.ge [sflag:s22], s20  }
0x9f: {  	s4 =	ssub.s32 $0x0, s20;
	[sflag:s22] =	ssyncset.done $0x0  }
0xa0: {  	[sflag:s22] =	ssyncadd.s32 s4;
	_ =	sdelay $0x1  }
0xa1: {  	s23 =	simm.s32 $0x1B8B  }
0xa2: {  	_ =	swait.ge [sflag:s23], $0x1  }
0xa3: {  	[sflag:s23] =	ssyncset.done $0x0  }
0xa4: {  	s25 =	simm.s32 $0x1B8E;
	s24 =	sld [smem:$0x3FFE];
	[sflag:s23] =	ssyncadd.s32 $0xFFFFFFFF  }
0xa5: {  	s26 =	simm.s32 $execute0_lowered;
	[smem:$0x3FD2] =	sst s25  }
0xa6: {  	s5 =	sshll.u32 s26, $0x1;
	_ =	strace $0x80000049;
	[dreg:$0x1] =	wrdreg $0xFFFFFFFF  }
0xa7: {  	s28 =	simm.s32 $_size_execute0_lowered;
	s3 =	sadd.s32 s3, s5;
	[dreg:$0x0] =	wrdreg $0x0  }
0xa8: {  	s5 =	sshll.u32 s28, $0x1;
	[dreg:$0x2] =	wrdreg s3  }
0xa9: {  	[dreg:$0x3] =	wrdreg s5  }
0xaa: {  	[dreg:$0x4] =	wrdreg $0xC0  }
0xab: {  	_ =	task [dreg:s7], $0x5FFFF  }
0xac: {  	[dreg:$0x1] =	wrdreg $0xFFFFFFFF  }
0xad: {  	[dreg:$0x0] =	wrdreg $0x60  }
0xae: {  	[dreg:$0x2] =	wrdreg s2  }
0xaf: {  	[dreg:$0x3] =	wrdreg s24  }
0xb0: {  	[dreg:$0x4] =	wrdreg $0x0  }
0xb1: {  	[dreg:$0x5] =	wrdreg $0x9  }
0xb2: {  	_ =	task.clear_ibuf [dreg:s7], $0x6FFFF;
	_ =	strace $0x90000049  }
0xb3: {  	s29 =	simm.s32 $0x9;
	_ =	strace $0x8000004B  }
0xb4: {  	_ =	swait.ge [sflag:s29], $0x1  }
0xb5: {  	[sflag:s29] =	ssyncadd.s32 $0xFFFFFFFF  }
0xb6: {  	_ =	strace $0x9000004B  }
0xb7: {  	_ =	sfence  }
0xb8: {  	s30 =	sld [smem:$0x0];
	_ =	sdelay $0x2  }
0xb9: {  	s31 =	sshll.u32 s1, $0xD;
	s1 =	sshrl.u32 s1, $0x2  }
0xba: {  	s3 =	sand.u32 $0x4000, s31;
	s1 =	sadd.s32 s1, s30  }
0xbb: {  	s0 =	sor.u32 s3, s0;
	s1 =	sshll.u32 s1, $0x11  }
0xbc: {  	s0 =	sor.u32 s1, s0  }
0xbd: {  	s0 =	sadd.s32 $0x8F2B, s0  }
0xbe: {  	[sflag:s0] =	ssyncadd.remote.s32 $0x1  }
0xbf: {  	_ =	sfence.sel $0xFFFF  }
0xc0: {  	[dreg:$0x0] =	wrdreg $0xFFFFFFFF;
	(pc) =	sbr.abs _section_cstart, $3  }
0xc1: {  	[dreg:$0x1] =	wrdreg $0xFFFFFFFF  }
0xc2: {  	_ =	task.clear_ibuf [dreg:s7], $0x2FFFF;
	_ =	strace $0x9FFFFFFF  }
0xc3: {  	(tm) =	ssettm $0x7FFFFFFF  }
tec
execute0_lowered:
.L_overlay_start_1:
0x0: {  	(tag) =	ssettag $0x1  }
0x1: {  	s1 =	rddreg [dreg:$0x0]  }
0x2: {  	s6 =	rddreg [dreg:$0x1]  }
0x3: {  	s3 =	rddreg [dreg:$0x2];
	s4 =	srdreg.scid  }
0x4: {  	s0 =	stileid.u32;
	s19 =	simm.s32 $0x18000;
	s21 =	simm.s32 $0x2  }
0x5: {  	s22 =	simm.s32 $0x50;
	s23 =	simm.s32 $0x1C000;
	s24 =	simm.s32 $0x0  }
0x6: {  	s7 =	sand.u32 $0x1, s4;
	s4 =	simm.s32 $0x0;
	s11 =	smul.u32 $0x14000, s0  }
0x7: {  	s5 =	sshll.u32 s0, $0xC;
	s16 =	sadd.s32 $0x71C00, s6;
	s9 =	smul.u32 $0x50000, s0  }
0x8: {  	s20 =	sshll.u32 s0, $0x6;
	s8 =	sshll.u32 s7, $0xB;
	[smem:$0x7FF] =	sst s4  }
0x9: {  	s14 =	smul.u32 $0x140000, s7;
	s7 =	ssub.s32 $0x2, s7;
	s20 =	sor.u32 $0x1C02, s20  }
0xa: {  	s5 =	sor.u32 s8, s5;
	_ =	strace $0x8000004A;
	s29 =	sshrl.u32 s7, $0x1  }
0xb: {  	s31 =	sshrl.u32 s9, $0x2;
	s15 =	sadd.s32 $0x5000, s11;
	s17 =	sadd.s32 $0xA000, s11  }
0xc: {  	s18 =	sadd.s32 $0xF000, s11;
	s8 =	sadd.s32 s5, s6;
	s5 =	sadd.s32 $0x1C00, s6  }
0xd: {  	s10 =	ssub.s32 s7, s29;
	s12 =	sadd.s32 s14, s11;
	s11 =	sadd.s32 s15, s3  }
0xe: {  	s13 =	sadd.s32 s18, s3;
	s15 =	sadd.s32 s14, s15;
	s6 =	sadd.s32 $0x61C00, s8  }
0xf: {  	s7 =	sadd.s32 $0x51C00, s8;
	s30 =	sshrl.u32 s12, $0x3;
	s9 =	smax.u32 s10, $0x1  }
0x10: {  	s10 =	sadd.s32 s31, s3;
	s12 =	sadd.s32 s17, s3;
	s17 =	sadd.s32 s14, s17  }
0x11: {  	s14 =	sadd.s32 s14, s18;
	s15 =	sshrl.u32 s15, $0x3;
	s8 =	sadd.s32 s16, s30  }
0x12: {  	s17 =	sshrl.u32 s17, $0x3;
	s18 =	sshrl.u32 s14, $0x3;
	s14 =	sadd.s32 s16, s15  }
0x13: {  	s15 =	sadd.s32 s16, s17;
	s16 =	sadd.s32 s16, s18;
	s18 =	simm.s32 $0x1  }
.LBB2_1:
0x14: {  	s0 =	simm.s32 $0x14000  }
0x15: {  	[tilespmem:s0], [sflag:$0x1] =	stream.linear.gather [hbm4b:s6+s4], $0x3E80, $0x38;
	[tilespmem:$0x1E800] =	vst v63  }
0x16: {  	_ =	swait.ge [sflag:s18], $0x3E80  }
0x17: {  	[sflag:s18] =	ssyncset.done $0x0  }
0x18: {  	[sflag:s18] =	ssyncadd.s32 $0xFFFFC180  }
0x19: {  	[tilespmem:s19], [sflag:$0x1] =	stream.linear.gather [hbm4b:s7+s4], $0x3E80, $0x38;
	[tilespmem:$0x1E800] =	vst v63  }
0x1a: {  	_ =	swait.ge [sflag:s18], $0x3E80  }
0x1b: {  	[sflag:s18] =	ssyncset.done $0x0  }
0x1c: {  	s25 =	sshrl.u32 s10, $0x3;
	[sflag:s18] =	ssyncadd.s32 $0xFFFFC180  }
0x1d: {  	[spmem:s25], [sflag:s20] =	dma.local [hbm:s5], $0xA00  }
0x1e: {  	_ =	swait.ge [sflag:s21], $0xA00  }
0x1f: {  	[sflag:s21] =	ssyncset.done $0x0  }
0x20: {  	s26 =	sshrl.u32 s11, $0x3;
	[sflag:s21] =	ssyncadd.s32 $0xFFFFF600  }
0x21: {  	[spmem:s26], [sflag:s20] =	dma.local [hbm:s5], $0xA00  }
0x22: {  	_ =	swait.ge [sflag:s21], $0xA00  }
0x23: {  	[sflag:s21] =	ssyncset.done $0x0  }
0x24: {  	s28 =	sshrl.u32 s12, $0x3;
	[sflag:s21] =	ssyncadd.s32 $0xFFFFF600  }
0x25: {  	[spmem:s28], [sflag:s20] =	dma.local [hbm:s5], $0xA00  }
0x26: {  	_ =	swait.ge [sflag:s21], $0xA00  }
0x27: {  	[sflag:s21] =	ssyncset.done $0x0  }
0x28: {  	s29 =	sshrl.u32 s13, $0x3;
	[sflag:s21] =	ssyncadd.s32 $0xFFFFF600  }
0x29: {  	[spmem:s29], [sflag:s20] =	dma.local [hbm:s5], $0xA00  }
0x2a: {  	_ =	swait.ge [sflag:s21], $0xA00  }
0x2b: {  	[sflag:s21] =	ssyncset.done $0x0  }
0x2c: {  	[sflag:s21] =	ssyncadd.s32 $0xFFFFF600  }
0x2d: {  	s30 =	simm.s32 $0x14000;
	[bflag:$0x0] =	sbarrier.arrive $0xFFFF  }
0x2e: {  	[tilespmem:s23], [sflag:$0x1] =	stream.indirect.gather [hbm4b:s1+s22], $0x80, s30, s22, $0xb8;
	[tilespmem:$0x1E800] =	vst v63  }
0x2f: {  	_ =	swait.ge [sflag:s18], $0x2800  }
0x30: {  	[sflag:s18] =	ssyncset.done $0x0  }
0x31: {  	s30 =	simm.s32 $0x18000;
	[sflag:s18] =	ssyncadd.s32 $0xFFFFD800  }
0x32: {  	[spmem:s3] =	stream.indirect.scatter.add.f32 [tilespmem:s23], [sflag:$0x2], $0x80, s30, s22, $0xb8;
	[tilespmem:$0x1E800] =	vst v63  }
0x33: {  	_ =	swait.ge [sflag:s21], $0x2800  }
0x34: {  	s31 =	simm.s32 $0x400;
	s30 =	simm.s32 $0x80;
	[sflag:s21] =	ssyncset.done $0x0  }
.LBB2_2:
0x35: {  	s0 =	sadd.s32 $0x14000, s30  }
0x36: {  	[sflag:s21] =	ssyncadd.s32 $0xFFFFD800;
	s2 =	smov.u32 s31;
	s17 =	sadd.s32 $0x200, s31  }
0x37: {  	[tilespmem:s23], [sflag:$0x1] =	stream.indirect.gather [hbm4b:s1+s22], $0x80, s0, s22, $0xb8;
	[tilespmem:$0x1E800] =	vst v63  }
0x38: {  	p0 =	sne.s32 s31, $0xF800;
	_ =	swait.ge [sflag:s18], $0x2800  }
.Ltmp0:
0x39: {  	[sflag:s18] =	ssyncset.done $0x0;
	(pc) =	sbr.rel @p0 .LBB2_2-.Ltmp0, $4  }
0x3a: {  	s0 =	sadd.s32 $0x18000, s30;
	[sflag:s18] =	ssyncadd.s32 $0xFFFFD800  }
0x3b: {  	[spmem:s3] =	stream.indirect.scatter.add.f32 [tilespmem:s23], [sflag:$0x2], $0x80, s0, s22, $0xb8;
	[tilespmem:$0x1E800] =	vst v63  }
0x3c: {  	_ =	swait.ge [sflag:s21], $0x2800  }
0x3d: {  	s30 =	sshra.s32 s2, $0x2;
	s31 =	smov.u32 s17;
	[sflag:s21] =	ssyncset.done $0x0  }
0x3e: {  	s0 =	sadd.s32 $0x14000, s30;
	[sflag:s21] =	ssyncadd.s32 $0xFFFFD800  }
0x3f: {  	[tilespmem:s23], [sflag:$0x1] =	stream.indirect.gather [hbm4b:s1+s22], $0x80, s0, s22, $0xb8;
	[tilespmem:$0x1E800] =	vst v63  }
0x40: {  	_ =	swait.ge [sflag:s18], $0x2800  }
0x41: {  	[sflag:s18] =	ssyncset.done $0x0  }
0x42: {  	s31 =	sadd.s32 $0x18000, s30;
	[sflag:s18] =	ssyncadd.s32 $0xFFFFD800  }
0x43: {  	[spmem:s3] =	stream.indirect.scatter.add.f32 [tilespmem:s23], [sflag:$0x2], $0x80, s31, s22, $0xb8;
	[tilespmem:$0x1E800] =	vst v63  }
0x44: {  	_ =	swait.ge [sflag:s21], $0x2800  }
0x45: {  	[sflag:s21] =	ssyncset.done $0x0  }
0x46: {  	[sflag:s21] =	ssyncadd.s32 $0xFFFFD800  }
0x47: {  	[bflag:$0x0] =	sbarrier.arrive $0xFFFF  }
0x48: {  	[hbm:s8], [sflag:s20] =	dma.local [spmem:s25], $0xA00  }
0x49: {  	_ =	swait.ge [sflag:s21], $0xA00  }
0x4a: {  	[sflag:s21] =	ssyncset.done $0x0  }
0x4b: {  	[sflag:s21] =	ssyncadd.s32 $0xFFFFF600  }
0x4c: {  	[hbm:s14], [sflag:s20] =	dma.local [spmem:s26], $0xA00  }
0x4d: {  	_ =	swait.ge [sflag:s21], $0xA00  }
0x4e: {  	[sflag:s21] =	ssyncset.done $0x0  }
0x4f: {  	[sflag:s21] =	ssyncadd.s32 $0xFFFFF600  }
0x50: {  	[hbm:s15], [sflag:s20] =	dma.local [spmem:s28], $0xA00  }
0x51: {  	s24 =	sadd.s32 $0x1, s24;
	_ =	swait.ge [sflag:s21], $0xA00  }
0x52: {  	p0 =	sne.s32 s24, s9;
	[sflag:s21] =	ssyncset.done $0x0  }
.Ltmp1:
0x53: {  	[sflag:s21] =	ssyncadd.s32 $0xFFFFF600;
	(pc) =	sbr.rel @p0 .LBB2_1-.Ltmp1, $4  }
0x54: {  	[hbm:s16], [sflag:s20] =	dma.local [spmem:s29], $0xA00  }
0x55: {  	_ =	swait.ge [sflag:s21], $0xA00  }
0x56: {  	[sflag:s21] =	ssyncset.done $0x0  }
0x57: {  	[sflag:s21] =	ssyncadd.s32 $0xFFFFF600  }
0x58: {  	_ =	sfence.sel $0x180000  }
0x59: {  	[bflag:$0x0] =	sbarrier.arrive $0xFFFF  }
0x5a: {  	_ =	strace $0x9000004A  }
0x5b: {  	s0 =	stileid.u32;
	[bflag:$0x2] =	sbarrier.arrive $0xFFFF  }
0x5c: {  	p0 =	sne.s32 s0, $0x0;
	s0 =	rddreg [dreg:$0x3]  }
0x5d: {  	s0 =	sadd.s32 @!p0 $0x100000, s0  }
0x5e: {  	[sflag:s0] =	ssyncadd.tile.s32 @!p0 $0x1;
	_ =	shalt  }
.Lfunc_end2:
_tile_overlayer_lowered:
.L_overlay_start_2:
0x5f: {  	(tag) =	ssettag $0x2  }
0x60: {  	s0 =	rddreg [dreg:$0x0];
	s2 =	stileid.u32  }
0x61: {  	s1 =	rddreg [dreg:$0x1];
	p0 =	sne.s32 s2, $0x0  }
0x62: {  	s3 =	rddreg [dreg:$0x2];
	[bflag:$0x3] =	sbarrier.arrive $0xFFFF;
	s2 =	simm.s32 @!p0 $0x1C02  }
0x63: {  	[timem:s3], [sflag:s2] =	dma.local @!p0 [hbm:s0], s1  }
0x64: {  	s0 =	simm.s32 @!p0 $0x2  }
0x65: {  	_ =	swait.ge @!p0 [sflag:s0], s1  }
0x66: {  	s1 =	ssub.s32 @!p0 $0x0, s1;
	[sflag:s0] =	ssyncset.done @!p0 $0x0  }
0x67: {  	[sflag:s0] =	ssyncadd.s32 @!p0 s1  }
0x68: {  	[bflag:$0x3] =	sbarrier.arrive $0xFFFF  }
0x69: {  	_ =	shalt  }

// kernel: kernel.7.cloned.1.call-start
scs
__scs_entry_jumppad:
0x0: {  	(pc) =	sbr.rel $0x88, $3  }
0x1: {  	(tag) =	ssettag $0x0;
	lr =	simm.s32 $0x1  }
0x2: {  	[smem:$0x3F9B] =	sst lr;
	_ =	strace $0xD0000000  }
0x3: {  	_ = 	snop  }
0x4: {  	_ = 	snop  }
0x5: {  	_ = 	snop  }
0x6: {  	_ = 	snop  }
0x7: {  	_ = 	snop  }
__scs_overlays_trampoline_lowered:
0x8: {  	[smem:$0x3FAA] =	sst s0  }
0x9: {  	[smem:$0x3FAB] =	sst s1  }
0xa: {  	[smem:$0x3FAC] =	sst s2  }
0xb: {  	[smem:$0x3FAD] =	sst s3  }
0xc: {  	[smem:$0x3FAE] =	sst s4  }
0xd: {  	[smem:$0x3FAF] =	sst s5  }
0xe: {  	[smem:$0x3FB0] =	sst s6  }
0xf: {  	[smem:$0x3FB1] =	sst s7  }
0x10: {  	[smem:$0x3FB2] =	sst s8  }
0x11: {  	[smem:$0x3FB3] =	sst s9;
	s0 =	simm.s32 @!p0 $0x0  }
0x12: {  	s1 =	sld [smem:$0x3F99];
	s0 =	simm.s32 @p0 $0x1  }
0x13: {  	[smem:$0x3FB4] =	sst s0;
	s0 =	simm.s32 @!p1 $0x0  }
0x14: {  	s2 =	sld [smem:$0x3F98];
	s0 =	simm.s32 @p1 $0x1  }
0x15: {  	[smem:$0x3FB5] =	sst s0;
	s0 =	simm.s32 @!p2 $0x0  }
0x16: {  	s3 =	sld [smem:$0x3FDB];
	s0 =	simm.s32 @p2 $0x1  }
0x17: {  	s4 =	simm.s32 $0x1BF5;
	[smem:$0x3FB7] =	sst s0  }
0x18: {  	s0 =	sld [smem:$0x3F9A];
	_ =	swait.ge [sflag:s4], $0x0  }
0x19: {  	s7 =	sld [smem:$0x3F9B]  }
0x1a: {  	s8 =	sadd.s32 $0xFFFFE003, lr  }
0x1b: {  	s9 =	sadd.s32 $0xFFFFFEF7, lr;
	s5 =	simm.s32 $0xFFFFFFFF;
	p2 =	slt.u32 s8, $0xFFFFF086  }
0x1c: {  	p1 =	slt.u32 s9, $0xF7A;
	s5 =	simm.s32 @!p2 $0x0  }
0x1d: {  	s5 =	simm.s32 @p1 $0x1;
	p0 =	seq.s32 s7, s2  }
0x1e: {  	s7 =	smul.u32 @!p0 $0xF7A, s2;
	p2 =	seq.s32 @!p0 s5, $0x0  }
0x1f: {  	s9 =	smul.u32 $0xF7A, s1;
	s8 =	simm.s32 @!p0 $0x1BF5;
	p2 =	por !p2, p0  }
0x20: {  	[sflag:s8] =	ssyncset.s32 @!p0 $0xFFFFF086;
	s6 =	sadd.s32 @!p0 s3, s7;
	s7 =	simm.s32 @!p0 $0x108  }
0x21: {  	s3 =	sadd.s32 s3, s9;
	s6 =	sadd.s32 @!p0 $0x88, s6;
	s7 =	simm.s32 @p2 $0x1082  }
0x22: {  	[simem:s7], [sflag:s8] =	dma.local @!p0 [hbm:s6], $0xF7A  }
0x23: {  	s9 =	sor.u32 $0xD0000000, s2;
	s6 =	simm.s32 $0x108;
	_ =	swait.ge @!p0 [sflag:s8], $0x0  }
0x24: {  	s3 =	sadd.s32 $0x88, s3;
	s6 =	simm.s32 @!p1 $0x1082;
	[sflag:s4] =	ssyncset.s32 $0xFFFFF086  }
0x25: {  	[simem:s6], [sflag:s4] =	dma.local [hbm:s3], $0xF7A  }
0x26: {  	[smem:$0x3F9B] =	sst s1;
	(tag) =	ssettag s2;
	_ =	strace s9  }
0x27: {  	s1 =	sld [smem:$0x3FAB]  }
0x28: {  	s2 =	sld [smem:$0x3FAC]  }
0x29: {  	s4 =	sld [smem:$0x3FAE]  }
0x2a: {  	p0 =	seq.s32 s5, $0x0;
	s5 =	sld [smem:$0x3FAF]  }
0x2b: {  	s6 =	sld [smem:$0x3FB0]  }
0x2c: {  	s7 =	sld [smem:$0x3FB1]  }
0x2d: {  	s3 =	simm.s32 $0x108;
	s8 =	sld [smem:$0x3FB2]  }
0x2e: {  	s3 =	simm.s32 @!p0 $0x1082;
	s9 =	sld [smem:$0x3FB3]  }
0x2f: {  	lr =	sadd.s32 s0, s3;
	s0 =	sld [smem:$0x3FAA]  }
0x30: {  	s3 =	sld [smem:$0x3FAD]  }
0x31: {  	[smem:$0x3FB6] =	sst s10  }
0x32: {  	s10 =	sld [smem:$0x3FB4];
	_ =	sdelay $0x3  }
0x33: {  	p0 =	seq.s32 s10, $0x1;
	s10 =	sld [smem:$0x3FB6];
	_ =	sdelay $0x3  }
0x34: {  	[smem:$0x3FB6] =	sst s10  }
0x35: {  	s10 =	sld [smem:$0x3FB5];
	_ =	sdelay $0x3  }
0x36: {  	p1 =	seq.s32 s10, $0x1;
	s10 =	sld [smem:$0x3FB6];
	_ =	sdelay $0x3  }
0x37: {  	[smem:$0x3FB6] =	sst s10  }
0x38: {  	s10 =	sld [smem:$0x3FB7]  }
0x39: {  	_ = 	snop;
	(pc) =	sbr.ind lr, $3  }
0x3a: {  	_ = 	snop  }
0x3b: {  	_ = 	snop  }
0x3c: {  	p2 =	seq.s32 s10, $0x1;
	s10 =	sld [smem:$0x3FB6]  }
0x3d: {  	_ =	shalt  }
0x3e: {  	_ =	shalt  }
0x3f: {  	_ =	shalt  }
0x40: {  	_ =	shalt  }
0x41: {  	_ =	shalt  }
0x42: {  	_ =	shalt  }
0x43: {  	_ =	shalt  }
0x44: {  	_ =	shalt  }
0x45: {  	_ =	shalt  }
0x46: {  	_ =	shalt  }
0x47: {  	_ =	shalt  }
0x48: {  	_ =	shalt  }
0x49: {  	_ =	shalt  }
0x4a: {  	_ =	shalt  }
0x4b: {  	_ =	shalt  }
0x4c: {  	_ =	shalt  }
0x4d: {  	_ =	shalt  }
0x4e: {  	_ =	shalt  }
0x4f: {  	_ =	shalt  }
0x50: {  	_ =	shalt  }
0x51: {  	_ =	shalt  }
0x52: {  	_ =	shalt  }
0x53: {  	_ =	shalt  }
0x54: {  	_ =	shalt  }
0x55: {  	_ =	shalt  }
0x56: {  	_ =	shalt  }
0x57: {  	_ =	shalt  }
0x58: {  	_ =	shalt  }
0x59: {  	_ =	shalt  }
0x5a: {  	_ =	shalt  }
0x5b: {  	_ =	shalt  }
0x5c: {  	_ =	shalt  }
0x5d: {  	_ =	shalt  }
0x5e: {  	_ =	shalt  }
0x5f: {  	_ =	shalt  }
0x60: {  	_ =	shalt  }
0x61: {  	_ =	shalt  }
0x62: {  	_ =	shalt  }
0x63: {  	_ =	shalt  }
0x64: {  	_ =	shalt  }
0x65: {  	_ =	shalt  }
0x66: {  	_ =	shalt  }
0x67: {  	_ =	shalt  }
0x68: {  	_ =	shalt  }
0x69: {  	_ =	shalt  }
0x6a: {  	_ =	shalt  }
0x6b: {  	_ =	shalt  }
0x6c: {  	_ =	shalt  }
0x6d: {  	_ =	shalt  }
0x6e: {  	_ =	shalt  }
0x6f: {  	_ =	shalt  }
0x70: {  	_ =	shalt  }
0x71: {  	_ =	shalt  }
0x72: {  	_ =	shalt  }
0x73: {  	_ =	shalt  }
0x74: {  	_ =	shalt  }
0x75: {  	_ =	shalt  }
0x76: {  	_ =	shalt  }
0x77: {  	_ =	shalt  }
0x78: {  	_ =	shalt  }
0x79: {  	_ =	shalt  }
0x7a: {  	_ =	shalt  }
0x7b: {  	_ =	shalt  }
0x7c: {  	_ =	shalt  }
0x7d: {  	_ =	shalt  }
0x7e: {  	_ =	shalt  }
0x7f: {  	_ =	shalt  }
0x80: {  	_ =	shalt  }
0x81: {  	_ =	shalt  }
0x82: {  	_ =	shalt  }
0x83: {  	_ =	shalt  }
0x84: {  	_ =	shalt  }
0x85: {  	_ =	shalt  }
0x86: {  	_ =	shalt  }
0x87: {  	_ =	shalt  }
.Lfunc_end0:
.L_simem_size_0:
called_computation_lowered:
.L_overlay_start_0:
0x88: {  	s2 =	sld [smem:$0x3FD9]  }
0x89: {  	s3 =	sld [smem:$0x3FFE];
	_ =	sdelay $0x1  }
0x8a: {  	s1 =	srdreg.scid  }
0x8b: {  	s0 =	sand.u32 $0x1, s1  }
0x8c: {  	s17 =	sshll.u32 s0, $0xA;
	s2 =	sadd.s32 s3, s2  }
0x8d: {  	s2 =	sadd.s32 s2, s17  }
0x8e: {  	[smem:$0x3FC2] =	sst s2  }
0x8f: {  	_ = 	snop  }
0x90: {  	s2 =	sld [smem:$0x3FD0];
	(tm) =	ssettm $0x1  }
0x91: {  	s18 =	sld [smem:$0x3FFB];
	_ =	sdelay $0x3  }
0x92: {  	_ =	strace s18  }
0x93: {  	s3 =	sld [smem:$0x3FFC];
	_ =	sdelay $0x3  }
0x94: {  	_ =	strace s3  }
0x95: {  	s3 =	sld [smem:$0x3FFD];
	_ =	sdelay $0x3  }
0x96: {  	_ =	strace s3  }
0x97: {  	_ =	strace $0x8FFFFFFF  }
0x98: {  	s19 =	sld [smem:$0x3FDB];
	_ =	sdelay $0x1  }
0x99: {  	s4 =	simm.s32 $_scs_section_size  }
0x9a: {  	s5 =	simm.s32 $_size__tile_overlayer_lowered;
	s6 =	simm.s32 $_tile_overlayer_lowered  }
0x9b: {  	s22 =	simm.s32 $0x1BFF;
	s21 =	sshll.u32 s6, $0x1;
	s3 =	sadd.s32 s4, s19  }
0x9c: {  	s7 =	simm.s32 $0x0;
	s20 =	sshll.u32 s5, $0x1;
	s5 =	sadd.s32 s21, s3  }
0x9d: {  	[timem:s7], [sflag:s22] =	dma.local [hbm:s5], s20  }
0x9e: {  	_ =	swait.ge [sflag:s22], s20  }
0x9f: {  	s4 =	ssub.s32 $0x0, s20;
	[sflag:s22] =	ssyncset.done $0x0  }
0xa0: {  	[sflag:s22] =	ssyncadd.s32 s4;
	_ =	sdelay $0x1  }
0xa1: {  	s23 =	simm.s32 $0x1B8B  }
0xa2: {  	_ =	swait.ge [sflag:s23], $0x1  }
0xa3: {  	[sflag:s23] =	ssyncset.done $0x0  }
0xa4: {  	s25 =	simm.s32 $0x1B8E;
	s24 =	sld [smem:$0x3FFE];
	[sflag:s23] =	ssyncadd.s32 $0xFFFFFFFF  }
0xa5: {  	s26 =	simm.s32 $execute0_lowered;
	[smem:$0x3FD2] =	sst s25  }
0xa6: {  	s5 =	sshll.u32 s26, $0x1;
	_ =	strace $0x80000046;
	[dreg:$0x1] =	wrdreg $0xFFFFFFFF  }
0xa7: {  	s28 =	simm.s32 $_size_execute0_lowered;
	s3 =	sadd.s32 s3, s5;
	[dreg:$0x0] =	wrdreg $0x0  }
0xa8: {  	s5 =	sshll.u32 s28, $0x1;
	[dreg:$0x2] =	wrdreg s3  }
0xa9: {  	[dreg:$0x3] =	wrdreg s5  }
0xaa: {  	[dreg:$0x4] =	wrdreg $0xC0  }
0xab: {  	_ =	task [dreg:s7], $0x5FFFF  }
0xac: {  	[dreg:$0x1] =	wrdreg $0xFFFFFFFF  }
0xad: {  	[dreg:$0x0] =	wrdreg $0x60  }
0xae: {  	[dreg:$0x2] =	wrdreg s2  }
0xaf: {  	[dreg:$0x3] =	wrdreg s24  }
0xb0: {  	[dreg:$0x4] =	wrdreg $0x9  }
0xb1: {  	_ =	task.clear_ibuf [dreg:s7], $0x5FFFF;
	_ =	strace $0x90000046  }
0xb2: {  	s29 =	simm.s32 $0x9;
	_ =	strace $0x80000048  }
0xb3: {  	_ =	swait.ge [sflag:s29], $0x1  }
0xb4: {  	[sflag:s29] =	ssyncadd.s32 $0xFFFFFFFF  }
0xb5: {  	_ =	strace $0x90000048  }
0xb6: {  	_ =	sfence  }
0xb7: {  	s30 =	sld [smem:$0x0];
	_ =	sdelay $0x2  }
0xb8: {  	s31 =	sshll.u32 s1, $0xD;
	s1 =	sshrl.u32 s1, $0x2  }
0xb9: {  	s3 =	sand.u32 $0x4000, s31;
	s1 =	sadd.s32 s1, s30  }
0xba: {  	s0 =	sor.u32 s3, s0;
	s1 =	sshll.u32 s1, $0x11  }
0xbb: {  	s0 =	sor.u32 s1, s0  }
0xbc: {  	s0 =	sadd.s32 $0x8F2B, s0  }
0xbd: {  	[sflag:s0] =	ssyncadd.remote.s32 $0x1  }
0xbe: {  	_ =	sfence.sel $0xFFFF  }
0xbf: {  	[dreg:$0x0] =	wrdreg $0xFFFFFFFF;
	(pc) =	sbr.abs _section_cstart, $3  }
0xc0: {  	[dreg:$0x1] =	wrdreg $0xFFFFFFFF  }
0xc1: {  	_ =	task.clear_ibuf [dreg:s7], $0x2FFFF;
	_ =	strace $0x9FFFFFFF  }
0xc2: {  	(tm) =	ssettm $0x7FFFFFFF  }
0xc3: {  	_ =	shalt  }
tec
execute0_lowered:
.L_overlay_start_1:
0x0: {  	(tag) =	ssettag $0x1  }
0x1: {  	s3 =	rddreg [dreg:$0x0]  }
0x2: {  	s4 =	rddreg [dreg:$0x1]  }
0x3: {  	s2 =	srdreg.scid;
	s1 =	stileid.u32  }
0x4: {  	s0 =	rddreg [dreg:$0x2];
	s10 =	simm.s32 $0x2;
	s11 =	simm.s32 $0x0  }
0x5: {  	s5 =	sand.u32 $0x1, s2;
	s6 =	sshll.u32 s1, $0x1;
	s2 =	simm.s32 $0x0  }
0x6: {  	s7 =	sshrl.u32 s1, $0x2;
	s6 =	sor.u32 s5, s6;
	[smem:$0x7FF] =	sst s2  }
0x7: {  	s7 =	smul.u32 $0x13C00, s7;
	s5 =	ssub.s32 $0x2, s5;
	s8 =	sshll.u32 s6, $0x7  }
0x8: {  	s6 =	smul.u32 $0x2800, s6;
	_ =	strace $0x80000047;
	s9 =	sshrl.u32 s5, $0x1  }
0x9: {  	s8 =	sand.u32 $0x380, s8;
	s5 =	ssub.s32 s5, s9;
	s9 =	simm.s32 $0x2780  }
0xa: {  	s7 =	sor.u32 s7, s8;
	s4 =	sadd.s32 s6, s4;
	s5 =	smax.u32 s5, $0x1  }
0xb: {  	s6 =	simm.s32 $0x80;
	s8 =	simm.s32 $0x1;
	s31 =	sshrl.u32 s7, $0x3  }
0xc: {  	v0 =	vimm.f32 $0.0e+00;
	v1 =	vimm.f32 $1.000000000e+00;
	s4 =	sadd.s32 $0x1C00, s4;
	s7 =	simm.s32 $0x400;
	s3 =	sadd.s32 s3, s31  }
.LBB2_1:
0xd: {  	[tilespmem:s2], [sflag:$0x1] =	stream.strided.gather [hbm4b:s3+s6], $0x2780, s7, s6, $0x38;
	[tilespmem:$0x16780] =	vst v63  }
0xe: {  	_ =	swait.ge [sflag:s8], $0x2780  }
0xf: {  	[sflag:s8] =	ssyncset.done $0x0  }
0x10: {  	s12 =	simm.s32 $0x0;
	[sflag:s8] =	ssyncadd.s32 $0xFFFFD880  }
.LBB2_2:
0x11: {  	p0 =	sne.s32 s12, $0x4FE00  }
.Ltmp0:
0x12: {  	_ = 	snop;
	(pc) =	sbr.rel @p0 .LBB2_2-.Ltmp0, $3  }
0x13: {  	_ =	sdelay $0x1  }
0x14: {  	s13 =	sshra.s32 s12, $0x2  }
0x15: {  	s12 =	sadd.s32 $0x200, s12;
	[tilespmem:s13+$0x2780] =	vst v0  }
0x16: {  	s13 =	simm.s32 $0x0;
	s12 =	simm.s32 $0x40  }
.LBB2_4:
0x17: {  	p0 =	sne.s32 s12, $0x9C00;
	v2 =	vld [tilespmem:s13+$0x0];
	_ =	sdelay $0x4  }
0x18: {  	v3 =	vshll.u32 v2, $0x3  }
0x19: {  	v2 =	vand.u32 $0xF, v2;
	v3 =	vand.u32 $0xFFFFFF80, v3  }
0x1a: {  	v2 =	vor.u32 v2, v3  }
.Ltmp1:
0x1b: {  	(pc) =	sbr.rel @p0 .LBB2_4-.Ltmp1, $2  }
0x1c: {  	_ =	sdelay $0x2  }
0x1d: {  	s13 =	sshra.s32 s12, $0x2;
	s12 =	sadd.s32 $0x40, s12;
	[tilespmem:v2+s9+$0x0] =	vst.idx.add.f32.msk $0xffff, v1  }
0x1e: {  	v2 =	vld [tilespmem:s13+$0x0];
	_ =	sdelay $0x4  }
0x1f: {  	v3 =	vshll.u32 v2, $0x3  }
0x20: {  	v2 =	vand.u32 $0xF, v2;
	v3 =	vand.u32 $0xFFFFFF80, v3  }
0x21: {  	v2 =	vor.u32 v2, v3;
	_ =	sdelay $0x2  }
0x22: {  	s11 =	sadd.s32 $0x1, s11  }
0x23: {  	p0 =	sne.s32 s11, s5  }
.Ltmp2:
0x24: {  	[tilespmem:v2+s9+$0x0] =	vst.idx.add.f32.msk $0xffff, v1;
	(pc) =	sbr.rel @p0 .LBB2_1-.Ltmp2, $4  }
0x25: {  	[hbm4b:s4+s2] =	stream.linear.scatter [tilespmem:s9], [sflag:$0x2], $0x14000, $0x38;
	[tilespmem:$0x16780] =	vst v63  }
0x26: {  	_ =	swait.ge [sflag:s10], $0x14000  }
0x27: {  	[sflag:s10] =	ssyncset.done $0x0  }
0x28: {  	[sflag:s10] =	ssyncadd.s32 $0xFFFEC000  }
0x29: {  	_ =	sfence.sel $0x180000  }
0x2a: {  	[bflag:$0x0] =	sbarrier.arrive $0xFFFF  }
0x2b: {  	p0 =	sne.s32 s1, $0x0;
	_ =	strace $0x90000047  }
0x2c: {  	s0 =	sadd.s32 @!p0 $0x100000, s0;
	[bflag:$0x2] =	sbarrier.arrive $0xFFFF  }
0x2d: {  	[sflag:s0] =	ssyncadd.tile.s32 @!p0 $0x1;
	_ =	shalt  }
.Lfunc_end2:
_tile_overlayer_lowered:
.L_overlay_start_2:
0x2e: {  	(tag) =	ssettag $0x2  }
0x2f: {  	s0 =	rddreg [dreg:$0x0];
	s2 =	stileid.u32  }
0x30: {  	s1 =	rddreg [dreg:$0x1];
	p0 =	sne.s32 s2, $0x0  }
0x31: {  	s3 =	rddreg [dreg:$0x2];
	[bflag:$0x3] =	sbarrier.arrive $0xFFFF;
	s2 =	simm.s32 @!p0 $0x1C02  }
0x32: {  	[timem:s3], [sflag:s2] =	dma.local @!p0 [hbm:s0], s1  }
0x33: {  	s0 =	simm.s32 @!p0 $0x2  }
0x34: {  	_ =	swait.ge @!p0 [sflag:s0], s1  }
0x35: {  	s1 =	ssub.s32 @!p0 $0x0, s1;
	[sflag:s0] =	ssyncset.done @!p0 $0x0  }
0x36: {  	[sflag:s0] =	ssyncadd.s32 @!p0 s1  }
0x37: {  	[bflag:$0x3] =	sbarrier.arrive $0xFFFF  }
0x38: {  	_ =	shalt  }

</sc_bundles>
